<compile_context>
chip_gen: v7x
topology: tpu7x:2x2x1
jax: 0.10.2.dev20260603
libtpu: 0.0.44.dev20260713+nightly
codegen_flags: <defaults>
</compile_context>

<pallas_src>
import math

import jax
import jax.numpy as jnp
import numpy as np
from jax.experimental import pallas as pl
from jax.experimental.pallas import tpu as pltpu
from jax._src.pallas.mosaic import sc_core as plsc_core

N = 2048
HEADS = 16
NUM_BUCKETS = 32
MAX_DISTANCE = 128
WW = 4352
VW = 4096
DW = 4608
NT = N // 128
HALF = DW // 2


def _bucket_indices_np():
    d = np.clip(np.arange(DW, dtype=np.int64) - (129 + N - 1), -(N - 1), N - 1)
    nb = NUM_BUCKETS // 2
    neg = -d
    ret = np.where(neg < 0, nb, 0).astype(np.int32)
    an = np.abs(neg)
    max_exact = nb // 2
    nf = np.maximum(an, 1).astype(np.float32)
    val = max_exact + (
        np.log(nf / np.float32(max_exact)) / np.float32(math.log(MAX_DISTANCE / max_exact)) * (nb - max_exact)
    ).astype(np.int32)
    val = np.minimum(val, nb - 1)
    return (ret + np.where(an < max_exact, an, val)).astype(np.int32)


def _gather16(src, idx):
    dnums = jax.lax.GatherDimensionNumbers(
        offset_dims=(), collapsed_slice_dims=(0,), start_index_map=(0,)
    )
    return jax.lax.gather(
        src, idx[:, None], dnums, (1,),
        mode=jax.lax.GatherScatterMode.PROMISE_IN_BOUNDS,
    )


def _sc_lookup_body(tab_ref, bidx_ref, o_ref, tabv, bidxv, dv, sem):
    c = jax.lax.axis_index("c")
    s = jax.lax.axis_index("s")
    tid = c * 16 + s
    h = jax.lax.div(tid, 2)
    half = jax.lax.rem(tid, 2)
    off = half * HALF

    cp_tab = pltpu.make_async_copy(tab_ref.at[h, :], tabv, sem.at[0])
    cp_tab.start()
    cp_idx = pltpu.make_async_copy(bidx_ref.at[pl.ds(off, HALF)], bidxv, sem.at[1])
    cp_idx.start()
    cp_tab.wait()
    cp_idx.wait()

    tab_lo = tabv[pl.ds(0, 16)]
    tab_hi = tabv[pl.ds(16, 16)]

    def chunk(i, carry):
        idx = bidxv[pl.ds(i * 16, 16)]
        lo = _gather16(tab_lo, jnp.minimum(idx, 15))
        hi = _gather16(tab_hi, jnp.maximum(idx - 16, 0))
        dv[pl.ds(i * 16, 16)] = jnp.where(idx < 16, lo, hi)
        return carry

    jax.lax.fori_loop(0, HALF // 16, chunk, 0)

    cp_out = pltpu.make_async_copy(dv, o_ref.at[h, 0, pl.ds(off, HALF)], sem.at[2])
    cp_out.start()
    cp_out.wait()


def _sc_lookup(table):
    bidx = jnp.asarray(_bucket_indices_np())
    body = pl.kernel(
        _sc_lookup_body,
        out_type=jax.ShapeDtypeStruct((HEADS, 1, DW), jnp.float32),
        mesh=plsc_core.VectorSubcoreMesh(core_axis_name="c", subcore_axis_name="s"),
        scratch_types=[
            pltpu.VMEM((128,), jnp.float32),
            pltpu.VMEM((HALF,), jnp.int32),
            pltpu.VMEM((HALF,), jnp.float32),
            pltpu.SemaphoreType.DMA((3,)),
        ],
    )
    tab_padded = jnp.zeros((HEADS, 128), table.dtype).at[:, :NUM_BUCKETS].set(table.T)
    return body(tab_padded, bidx)


def _build(d_ref, w_ref, v3_ref, r):
    for s in range(8):
        w_ref[s : s + 1, :] = d_ref[0, 0:1, 8 - s : 8 - s + WW]
    for k in range(16):
        v3_ref[r, 8 * k : 8 * k + 8, :] = w_ref[:, 120 - 8 * k : 120 - 8 * k + VW]


def _block_copy(o_ref, v3_ref, sem_ref, h, r, t):
    src = v3_ref.at[r, :, pl.ds((NT - t) * 128, N)]
    dst = o_ref.at[h, pl.ds(128 * t, 128), :]
    return pltpu.make_async_copy(src, dst, sem_ref.at[r])


def _tc_body(dcur_ref, dnext_ref, o_ref, w_ref, v3_ref, sem_ref):
    h = pl.program_id(0)
    r = jax.lax.rem(h, 3)
    rn = jax.lax.rem(h + 1, 3)

    @pl.when(h == 0)
    def _prologue():
        _build(dcur_ref, w_ref, v3_ref, 0)

    for t in range(NT):
        _block_copy(o_ref, v3_ref, sem_ref, h, r, t).start()

    @pl.when(h >= 2)
    def _reclaim():
        for t in range(NT):
            _block_copy(o_ref, v3_ref, sem_ref, h - 2, rn, t).wait()

    @pl.when(h < HEADS - 1)
    def _build_next():
        _build(dnext_ref, w_ref, v3_ref, rn)

    @pl.when(h == HEADS - 1)
    def _drain():
        for t in range(NT):
            _block_copy(o_ref, v3_ref, sem_ref, h - 1, jax.lax.rem(h - 1, 3), t).wait()
        for t in range(NT):
            _block_copy(o_ref, v3_ref, sem_ref, h, r, t).wait()


def kernel(n, relative_attention_bias):
    del n
    d_all = _sc_lookup(relative_attention_bias)
    out = pl.pallas_call(
        _tc_body,
        grid=(HEADS,),
        in_specs=[
            pl.BlockSpec((1, 1, DW), lambda h: (h, 0, 0)),
            pl.BlockSpec((1, 1, DW), lambda h: (jnp.minimum(h + 1, HEADS - 1), 0, 0)),
        ],
        out_specs=pl.BlockSpec(memory_space=pl.ANY),
        out_shape=jax.ShapeDtypeStruct((HEADS, N, N), jnp.float32),
        scratch_shapes=[
            pltpu.VMEM((8, WW), jnp.float32),
            pltpu.VMEM((3, 128, VW), jnp.float32),
            pltpu.SemaphoreType.DMA((3,)),
        ],
    )(d_all, d_all)
    return out

# --- scband reference (transcript-rebuilt; emitter-appended) ---
"""Pipeline reference for scband-relative-position-bias-687194768256 (READ-ONLY COPY).

The authoritative reference and input builder live on the scoring server;
editing this copy changes nothing except your own understanding.
"""

import jax, jax.numpy as jnp
import numpy as np
import math

NUM_BUCKETS = 32
MAX_DISTANCE = 128
HEADS = 16
N = 2048


def _relative_position_bucket(relative_position, num_buckets=NUM_BUCKETS, max_distance=MAX_DISTANCE):
    ret = 0
    n = -relative_position
    num_buckets = num_buckets // 2
    ret = ret + (n < 0).astype(jnp.int32) * num_buckets
    n = jnp.abs(n)
    max_exact = num_buckets // 2
    is_small = n < max_exact
    # guard log(0); those entries are masked by is_small anyway (n==0 < max_exact)
    nf = jnp.maximum(n.astype(jnp.float32), 1.0)
    val_if_large = max_exact + (
        jnp.log(nf / max_exact) / math.log(max_distance / max_exact) * (num_buckets - max_exact)
    ).astype(jnp.int32)
    val_if_large = jnp.minimum(val_if_large, num_buckets - 1)
    ret = ret + jnp.where(is_small, n, val_if_large)
    return ret


def setup_inputs(seed: int = 0) -> dict:
    key = jax.random.key(seed)
    table = jax.random.normal(key, (NUM_BUCKETS, HEADS), dtype=jnp.float32)
    return {"n": 2048, "relative_attention_bias": table}


def reference(n, relative_attention_bias):
    zero = (jnp.asarray(n) * 0).astype(jnp.int32)
    q_pos = jnp.arange(N, dtype=jnp.int32) + zero
    k_pos = jnp.arange(N, dtype=jnp.int32) + zero
    rel_pos = k_pos[None, :] - q_pos[:, None]  # [n, n]
    rp_bucket = _relative_position_bucket(rel_pos, NUM_BUCKETS, MAX_DISTANCE)  # [n, n] int
    values = jnp.take(relative_attention_bias, rp_bucket, axis=0)  # [n, n, h]
    return jnp.transpose(values, (2, 0, 1))  # [h, n, n]

if __name__ == "__main__":
    import jax
    _d = setup_inputs()
    print(jax.jit(kernel)(*tuple(_d.values())))

</pallas_src>

<mosaic_0001>
#map = affine_map<(d0, d1) -> (0, 0)>
#map1 = affine_map<(d0, d1) -> (0)>
#map2 = affine_map<(d0, d1) -> (0, 0, 0)>
module attributes {stable_mosaic.version = 14 : i64} {
  func.func @_sc_lookup_body(%arg0: i32, %arg1: i32, %arg2: memref<16x128xf32, #tpu.memory_space<hbm>>, %arg3: memref<4608xi32, #tpu.memory_space<hbm>>, %arg4: memref<16x1x4608xf32, #tpu.memory_space<hbm>>, %arg5: memref<128xf32, #tpu.memory_space<vmem>>, %arg6: memref<2304xi32, #tpu.memory_space<vmem>>, %arg7: memref<2304xf32, #tpu.memory_space<vmem>>, %arg8: memref<3x!tpu.dma_semaphore, #tpu.memory_space<semaphore_mem>>) attributes {dimension_semantics = [#tpu.dimension_semantics<core_parallel>, #tpu.dimension_semantics<subcore_parallel>], iteration_bounds = array<i64: 2, 16>, scalar_prefetch = 0 : i64, scratch_operands = 4 : i64, tpu.core_type = #tpu.core_type<sc_vector_subcore>, window_params = [{transform_indices = #map}, {transform_indices = #map1}, {transform_indices = #map2}]} {
    %mul3A = arith.constant 16 : i32
    %mul3A_0 = arith.muli %arg0, %mul3A : i32
    %add3A = arith.addi %mul3A_0, %arg1 : i32
    %div3A = arith.constant 2 : i32
    %div3A_1 = arith.divsi %add3A, %div3A : i32
    %rem3A = arith.constant 2 : i32
    %rem3A_2 = arith.remsi %add3A, %rem3A : i32
    %mul3A_3 = arith.constant 2304 : i32
    %mul3A_4 = arith.muli %rem3A_2, %mul3A_3 : i32
    %dma_start3A = arith.constant 0 : i32
    %dma_start3A_5 = arith.constant 0 : i32
    %dma_start3A_6 = tpu.memref_slice %arg2[%div3A_1, %dma_start3A_5] : memref<16x128xf32, #tpu.memory_space<hbm>> -> memref<1x128xf32, #tpu.memory_space<hbm>>
    %dma_start3A_7 = tpu.memref_squeeze %dma_start3A_6 : memref<1x128xf32, #tpu.memory_space<hbm>> -> memref<128xf32, #tpu.memory_space<hbm>>
    %dma_start3A_8 = tpu.memref_slice %arg8[%dma_start3A] : memref<3x!tpu.dma_semaphore, #tpu.memory_space<semaphore_mem>> -> memref<1x!tpu.dma_semaphore, #tpu.memory_space<semaphore_mem>>
    %dma_start3A_9 = tpu.memref_squeeze %dma_start3A_8 : memref<1x!tpu.dma_semaphore, #tpu.memory_space<semaphore_mem>> -> memref<!tpu.dma_semaphore, #tpu.memory_space<semaphore_mem>>
    %dma_start3A_10 = arith.constant 0 : i32
    %dma_start3A_11 = tpu.memref_slice %arg2[%div3A_1, %dma_start3A_10] : memref<16x128xf32, #tpu.memory_space<hbm>> -> memref<1x128xf32, #tpu.memory_space<hbm>>
    %dma_start3A_12 = tpu.memref_squeeze %dma_start3A_11 : memref<1x128xf32, #tpu.memory_space<hbm>> -> memref<128xf32, #tpu.memory_space<hbm>>
    tpu.enqueue_dma source(%dma_start3A_12 : memref<128xf32, #tpu.memory_space<hbm>>) target(%arg5 : memref<128xf32, #tpu.memory_space<vmem>>) target_semaphore(%dma_start3A_9 : memref<!tpu.dma_semaphore, #tpu.memory_space<semaphore_mem>>)
    %dma_start3A_13 = arith.constant 1 : i32
    %dma_start3A_14 = tpu.memref_slice %arg3[%mul3A_4] : memref<4608xi32, #tpu.memory_space<hbm>> -> memref<2304xi32, #tpu.memory_space<hbm>>
    %dma_start3A_15 = tpu.memref_slice %arg8[%dma_start3A_13] : memref<3x!tpu.dma_semaphore, #tpu.memory_space<semaphore_mem>> -> memref<1x!tpu.dma_semaphore, #tpu.memory_space<semaphore_mem>>
    %dma_start3A_16 = tpu.memref_squeeze %dma_start3A_15 : memref<1x!tpu.dma_semaphore, #tpu.memory_space<semaphore_mem>> -> memref<!tpu.dma_semaphore, #tpu.memory_space<semaphore_mem>>
    %dma_start3A_17 = tpu.memref_slice %arg3[%mul3A_4] : memref<4608xi32, #tpu.memory_space<hbm>> -> memref<2304xi32, #tpu.memory_space<hbm>>
    tpu.enqueue_dma source(%dma_start3A_17 : memref<2304xi32, #tpu.memory_space<hbm>>) target(%arg6 : memref<2304xi32, #tpu.memory_space<vmem>>) target_semaphore(%dma_start3A_16 : memref<!tpu.dma_semaphore, #tpu.memory_space<semaphore_mem>>)
    %dma_wait3A = arith.constant 0 : i32
    %dma_wait3A_18 = arith.constant 0 : i32
    %dma_wait3A_19 = tpu.memref_slice %arg2[%div3A_1, %dma_wait3A_18] : memref<16x128xf32, #tpu.memory_space<hbm>> -> memref<1x128xf32, #tpu.memory_space<hbm>>
    %dma_wait3A_20 = tpu.memref_squeeze %dma_wait3A_19 : memref<1x128xf32, #tpu.memory_space<hbm>> -> memref<128xf32, #tpu.memory_space<hbm>>
    %dma_wait3A_21 = tpu.memref_slice %arg8[%dma_wait3A] : memref<3x!tpu.dma_semaphore, #tpu.memory_space<semaphore_mem>> -> memref<1x!tpu.dma_semaphore, #tpu.memory_space<semaphore_mem>>
    %dma_wait3A_22 = tpu.memref_squeeze %dma_wait3A_21 : memref<1x!tpu.dma_semaphore, #tpu.memory_space<semaphore_mem>> -> memref<!tpu.dma_semaphore, #tpu.memory_space<semaphore_mem>>
    %dma_wait3A_23 = arith.constant 0 : i32
    %dma_wait3A_24 = tpu.memref_slice %arg2[%div3A_1, %dma_wait3A_23] : memref<16x128xf32, #tpu.memory_space<hbm>> -> memref<1x128xf32, #tpu.memory_space<hbm>>
    %dma_wait3A_25 = tpu.memref_squeeze %dma_wait3A_24 : memref<1x128xf32, #tpu.memory_space<hbm>> -> memref<128xf32, #tpu.memory_space<hbm>>
    tpu.wait_dma2 semaphore(%dma_wait3A_22 : memref<!tpu.dma_semaphore, #tpu.memory_space<semaphore_mem>>) src(%dma_wait3A_25 : memref<128xf32, #tpu.memory_space<hbm>>) dst(%arg5 : memref<128xf32, #tpu.memory_space<vmem>>)
    %dma_wait3A_26 = arith.constant 1 : i32
    %dma_wait3A_27 = tpu.memref_slice %arg3[%mul3A_4] : memref<4608xi32, #tpu.memory_space<hbm>> -> memref<2304xi32, #tpu.memory_space<hbm>>
    %dma_wait3A_28 = tpu.memref_slice %arg8[%dma_wait3A_26] : memref<3x!tpu.dma_semaphore, #tpu.memory_space<semaphore_mem>> -> memref<1x!tpu.dma_semaphore, #tpu.memory_space<semaphore_mem>>
    %dma_wait3A_29 = tpu.memref_squeeze %dma_wait3A_28 : memref<1x!tpu.dma_semaphore, #tpu.memory_space<semaphore_mem>> -> memref<!tpu.dma_semaphore, #tpu.memory_space<semaphore_mem>>
    %dma_wait3A_30 = tpu.memref_slice %arg3[%mul3A_4] : memref<4608xi32, #tpu.memory_space<hbm>> -> memref<2304xi32, #tpu.memory_space<hbm>>
    tpu.wait_dma2 semaphore(%dma_wait3A_29 : memref<!tpu.dma_semaphore, #tpu.memory_space<semaphore_mem>>) src(%dma_wait3A_30 : memref<2304xi32, #tpu.memory_space<hbm>>) dst(%arg6 : memref<2304xi32, #tpu.memory_space<vmem>>)
    %get3A = arith.constant 0 : index
    %get3A_31 = tpu.vector_load %arg5[%get3A] {strides = array<i32>} : memref<128xf32, #tpu.memory_space<vmem>>, vector<16xf32>,
    %get3A_32 = vector.shape_cast %get3A_31 : vector<16xf32> to vector<16xf32>
    %get3A_33 = arith.constant 16 : index
    %get3A_34 = tpu.vector_load %arg5[%get3A_33] {strides = array<i32>} : memref<128xf32, #tpu.memory_space<vmem>>, vector<16xf32>,
    %get3A_35 = vector.shape_cast %get3A_34 : vector<16xf32> to vector<16xf32>
    %scan3A = arith.constant 0 : i32
    %scan3A_36 = arith.constant 0 : i32
    %scan3A_37 = arith.constant 144 : i32
    %scan3A_38 = arith.addi %scan3A_36, %scan3A_37 : i32
    %scan3A_39 = arith.constant 1 : i32
    scf.for %scan3A_57 = %scan3A_36 to %scan3A_38 step %scan3A_39  : i32 {
      %mul3A_58 = arith.constant 16 : i32
      %mul3A_59 = arith.muli %scan3A_57, %mul3A_58 : i32
      %get3A_60 = arith.index_cast %mul3A_59 : i32 to index
      %get3A_61 = tpu.vector_load %arg6[%get3A_60] {strides = array<i32>} : memref<2304xi32, #tpu.memory_space<vmem>>, vector<16xi32>,
      %get3A_62 = vector.shape_cast %get3A_61 : vector<16xi32> to vector<16xi32>
      %min3A = arith.constant 15 : i32
      %min3A_63 = vector.broadcast %min3A : i32 to vector<16xi32>
      %min3A_64 = arith.minsi %get3A_62, %min3A_63 : vector<16xi32>
      %broadcast_in_dim3A = vector.shape_cast %min3A_64 : vector<16xi32> to vector<16x1xi32>
      %gather3A = vector.shape_cast %broadcast_in_dim3A : vector<16x1xi32> to vector<16xi32>
      %gather3A_65 = tpu.dynamic_gather %get3A_32[%gather3A] in [0] : vector<16xf32>, vector<16xi32> -> vector<16xf32>
      %sub3A = arith.constant 16 : i32
      %sub3A_66 = vector.broadcast %sub3A : i32 to vector<16xi32>
      %sub3A_67 = arith.subi %get3A_62, %sub3A_66 : vector<16xi32>
      %max3A = arith.constant 0 : i32
      %max3A_68 = vector.broadcast %max3A : i32 to vector<16xi32>
      %max3A_69 = arith.maxsi %sub3A_67, %max3A_68 : vector<16xi32>
      %broadcast_in_dim3A_70 = vector.shape_cast %max3A_69 : vector<16xi32> to vector<16x1xi32>
      %gather3A_71 = vector.shape_cast %broadcast_in_dim3A_70 : vector<16x1xi32> to vector<16xi32>
      %gather3A_72 = tpu.dynamic_gather %get3A_35[%gather3A_71] in [0] : vector<16xf32>, vector<16xi32> -> vector<16xf32>
      %lt3A = arith.constant 16 : i32
      %lt3A_73 = vector.broadcast %lt3A : i32 to vector<16xi32>
      %lt3A_74 = arith.cmpi slt, %get3A_62, %lt3A_73 : vector<16xi32>
      %select_n3A = arith.select %lt3A_74, %gather3A_65, %gather3A_72 : vector<16xi1>, vector<16xf32>
      %mul3A_75 = arith.constant 16 : i32
      %mul3A_76 = arith.muli %scan3A_57, %mul3A_75 : i32
      %swap3A = arith.index_cast %mul3A_76 : i32 to index
      %swap3A_77 = tpu.vector_load %arg7[%swap3A] {strides = array<i32>} : memref<2304xf32, #tpu.memory_space<vmem>>, vector<16xf32>,
      %swap3A_78 = vector.shape_cast %swap3A_77 : vector<16xf32> to vector<16xf32>
      %swap3A_79 = vector.shape_cast %select_n3A : vector<16xf32> to vector<16xf32>
      tpu.vector_store %arg7[%swap3A], %swap3A_79 {strides = array<i32>} : memref<2304xf32, #tpu.memory_space<vmem>>, vector<16xf32>,
    }
    %scan3A_40 = arith.constant 144 : i32
    %dma_start3A_41 = arith.constant 0 : i32
    %dma_start3A_42 = arith.constant 2 : i32
    %dma_start3A_43 = tpu.memref_slice %arg4[%div3A_1, %dma_start3A_41, %mul3A_4] : memref<16x1x4608xf32, #tpu.memory_space<hbm>> -> memref<1x1x2304xf32, #tpu.memory_space<hbm>>
    %dma_start3A_44 = tpu.memref_squeeze %dma_start3A_43 : memref<1x1x2304xf32, #tpu.memory_space<hbm>> -> memref<2304xf32, #tpu.memory_space<hbm>>
    %dma_start3A_45 = tpu.memref_slice %arg8[%dma_start3A_42] : memref<3x!tpu.dma_semaphore, #tpu.memory_space<semaphore_mem>> -> memref<1x!tpu.dma_semaphore, #tpu.memory_space<semaphore_mem>>
    %dma_start3A_46 = tpu.memref_squeeze %dma_start3A_45 : memref<1x!tpu.dma_semaphore, #tpu.memory_space<semaphore_mem>> -> memref<!tpu.dma_semaphore, #tpu.memory_space<semaphore_mem>>
    %dma_start3A_47 = tpu.memref_slice %arg4[%div3A_1, %dma_start3A_41, %mul3A_4] : memref<16x1x4608xf32, #tpu.memory_space<hbm>> -> memref<1x1x2304xf32, #tpu.memory_space<hbm>>
    %dma_start3A_48 = tpu.memref_squeeze %dma_start3A_47 : memref<1x1x2304xf32, #tpu.memory_space<hbm>> -> memref<2304xf32, #tpu.memory_space<hbm>>
    tpu.enqueue_dma source(%arg7 : memref<2304xf32, #tpu.memory_space<vmem>>) target(%dma_start3A_48 : memref<2304xf32, #tpu.memory_space<hbm>>) target_semaphore(%dma_start3A_46 : memref<!tpu.dma_semaphore, #tpu.memory_space<semaphore_mem>>)
    %dma_wait3A_49 = arith.constant 0 : i32
    %dma_wait3A_50 = arith.constant 2 : i32
    %dma_wait3A_51 = tpu.memref_slice %arg4[%div3A_1, %dma_wait3A_49, %mul3A_4] : memref<16x1x4608xf32, #tpu.memory_space<hbm>> -> memref<1x1x2304xf32, #tpu.memory_space<hbm>>
    %dma_wait3A_52 = tpu.memref_squeeze %dma_wait3A_51 : memref<1x1x2304xf32, #tpu.memory_space<hbm>> -> memref<2304xf32, #tpu.memory_space<hbm>>
    %dma_wait3A_53 = tpu.memref_slice %arg8[%dma_wait3A_50] : memref<3x!tpu.dma_semaphore, #tpu.memory_space<semaphore_mem>> -> memref<1x!tpu.dma_semaphore, #tpu.memory_space<semaphore_mem>>
    %dma_wait3A_54 = tpu.memref_squeeze %dma_wait3A_53 : memref<1x!tpu.dma_semaphore, #tpu.memory_space<semaphore_mem>> -> memref<!tpu.dma_semaphore, #tpu.memory_space<semaphore_mem>>
    %dma_wait3A_55 = tpu.memref_slice %arg4[%div3A_1, %dma_wait3A_49, %mul3A_4] : memref<16x1x4608xf32, #tpu.memory_space<hbm>> -> memref<1x1x2304xf32, #tpu.memory_space<hbm>>
    %dma_wait3A_56 = tpu.memref_squeeze %dma_wait3A_55 : memref<1x1x2304xf32, #tpu.memory_space<hbm>> -> memref<2304xf32, #tpu.memory_space<hbm>>
    tpu.wait_dma2 semaphore(%dma_wait3A_54 : memref<!tpu.dma_semaphore, #tpu.memory_space<semaphore_mem>>) src(%arg7 : memref<2304xf32, #tpu.memory_space<vmem>>) dst(%dma_wait3A_56 : memref<2304xf32, #tpu.memory_space<hbm>>)
    return
  }
}

module attributes {stable_mosaic.version = 14 : i64} {
  func.func @_tc_body(%arg0: i32, %arg1: memref<1x1x4608xf32, #tpu.memory_space<vmem>>, %arg2: memref<1x1x4608xf32, #tpu.memory_space<vmem>>, %arg3: memref<16x2048x2048xf32, #tpu.memory_space<any>>, %arg4: memref<8x4352xf32, #tpu.memory_space<vmem>>, %arg5: memref<3x128x4096xf32, #tpu.memory_space<vmem>>, %arg6: memref<3x!tpu.dma_semaphore, #tpu.memory_space<semaphore_mem>>) attributes {dimension_semantics = [#tpu.dimension_semantics<arbitrary>], iteration_bounds = array<i64: 16>, scalar_prefetch = 0 : i64, scratch_operands = 3 : i64, tpu.core_type = #tpu.core_type<tc>, window_params = [{transform_indices = @transform_0, window_bounds = array<i64: 1, 1, 4608>}, {transform_indices = @transform_1, window_bounds = array<i64: 1, 1, 4608>}, {}]} {
    %rem3A = arith.constant 3 : i32
    %rem3A_0 = arith.remsi %arg0, %rem3A : i32
    %add3A = arith.constant 1 : i32
    %add3A_1 = arith.addi %arg0, %add3A : i32
    %rem3A_2 = arith.constant 3 : i32
    %rem3A_3 = arith.remsi %add3A_1, %rem3A_2 : i32
    %eq3A = arith.constant 0 : i32
    %eq3A_4 = arith.cmpi eq, %arg0, %eq3A : i32
    %convert_element_type3A = arith.extui %eq3A_4 : i1 to i32
    %cond3A = arith.constant 0 : i32
    %cond3A_5 = arith.cmpi ne, %convert_element_type3A, %cond3A : i32
    scf.if %cond3A_5 {
      %get3A = arith.constant 0 : index
      %get3A_178 = arith.constant 0 : index
      %get3A_179 = arith.constant 8 : index
      %get3A_180 = vector.load %arg1[%get3A, %get3A_178, %get3A_179] : memref<1x1x4608xf32, #tpu.memory_space<vmem>>, vector<1x1x4352xf32>
      %get3A_181 = vector.shape_cast %get3A_180 : vector<1x1x4352xf32> to vector<1x4352xf32>
      %swap3A = arith.constant 0 : index
      %swap3A_182 = arith.constant 0 : index
      %swap3A_183 = vector.load %arg4[%swap3A, %swap3A_182] : memref<8x4352xf32, #tpu.memory_space<vmem>>, vector<1x4352xf32>
      tpu.vector_store %arg4[%swap3A, %swap3A_182], %get3A_181 {strides = array<i32>} : memref<8x4352xf32, #tpu.memory_space<vmem>>, vector<1x4352xf32>,
      %get3A_184 = arith.constant 0 : index
      %get3A_185 = arith.constant 0 : index
      %get3A_186 = arith.constant 7 : index
      %get3A_187 = vector.load %arg1[%get3A_184, %get3A_185, %get3A_186] : memref<1x1x4608xf32, #tpu.memory_space<vmem>>, vector<1x1x4352xf32>
      %get3A_188 = vector.shape_cast %get3A_187 : vector<1x1x4352xf32> to vector<1x4352xf32>
      %swap3A_189 = arith.constant 1 : index
      %swap3A_190 = arith.constant 0 : index
      %swap3A_191 = vector.load %arg4[%swap3A_189, %swap3A_190] : memref<8x4352xf32, #tpu.memory_space<vmem>>, vector<1x4352xf32>
      tpu.vector_store %arg4[%swap3A_189, %swap3A_190], %get3A_188 {strides = array<i32>} : memref<8x4352xf32, #tpu.memory_space<vmem>>, vector<1x4352xf32>,
      %get3A_192 = arith.constant 0 : index
      %get3A_193 = arith.constant 0 : index
      %get3A_194 = arith.constant 6 : index
      %get3A_195 = vector.load %arg1[%get3A_192, %get3A_193, %get3A_194] : memref<1x1x4608xf32, #tpu.memory_space<vmem>>, vector<1x1x4352xf32>
      %get3A_196 = vector.shape_cast %get3A_195 : vector<1x1x4352xf32> to vector<1x4352xf32>
      %swap3A_197 = arith.constant 2 : index
      %swap3A_198 = arith.constant 0 : index
      %swap3A_199 = vector.load %arg4[%swap3A_197, %swap3A_198] : memref<8x4352xf32, #tpu.memory_space<vmem>>, vector<1x4352xf32>
      tpu.vector_store %arg4[%swap3A_197, %swap3A_198], %get3A_196 {strides = array<i32>} : memref<8x4352xf32, #tpu.memory_space<vmem>>, vector<1x4352xf32>,
      %get3A_200 = arith.constant 0 : index
      %get3A_201 = arith.constant 0 : index
      %get3A_202 = arith.constant 5 : index
      %get3A_203 = vector.load %arg1[%get3A_200, %get3A_201, %get3A_202] : memref<1x1x4608xf32, #tpu.memory_space<vmem>>, vector<1x1x4352xf32>
      %get3A_204 = vector.shape_cast %get3A_203 : vector<1x1x4352xf32> to vector<1x4352xf32>
      %swap3A_205 = arith.constant 3 : index
      %swap3A_206 = arith.constant 0 : index
      %swap3A_207 = vector.load %arg4[%swap3A_205, %swap3A_206] : memref<8x4352xf32, #tpu.memory_space<vmem>>, vector<1x4352xf32>
      tpu.vector_store %arg4[%swap3A_205, %swap3A_206], %get3A_204 {strides = array<i32>} : memref<8x4352xf32, #tpu.memory_space<vmem>>, vector<1x4352xf32>,
      %get3A_208 = arith.constant 0 : index
      %get3A_209 = arith.constant 0 : index
      %get3A_210 = arith.constant 4 : index
      %get3A_211 = vector.load %arg1[%get3A_208, %get3A_209, %get3A_210] : memref<1x1x4608xf32, #tpu.memory_space<vmem>>, vector<1x1x4352xf32>
      %get3A_212 = vector.shape_cast %get3A_211 : vector<1x1x4352xf32> to vector<1x4352xf32>
      %swap3A_213 = arith.constant 4 : index
      %swap3A_214 = arith.constant 0 : index
      %swap3A_215 = vector.load %arg4[%swap3A_213, %swap3A_214] : memref<8x4352xf32, #tpu.memory_space<vmem>>, vector<1x4352xf32>
      tpu.vector_store %arg4[%swap3A_213, %swap3A_214], %get3A_212 {strides = array<i32>} : memref<8x4352xf32, #tpu.memory_space<vmem>>, vector<1x4352xf32>,
      %get3A_216 = arith.constant 0 : index
      %get3A_217 = arith.constant 0 : index
      %get3A_218 = arith.constant 3 : index
      %get3A_219 = vector.load %arg1[%get3A_216, %get3A_217, %get3A_218] : memref<1x1x4608xf32, #tpu.memory_space<vmem>>, vector<1x1x4352xf32>
      %get3A_220 = vector.shape_cast %get3A_219 : vector<1x1x4352xf32> to vector<1x4352xf32>
      %swap3A_221 = arith.constant 5 : index
      %swap3A_222 = arith.constant 0 : index
      %swap3A_223 = vector.load %arg4[%swap3A_221, %swap3A_222] : memref<8x4352xf32, #tpu.memory_space<vmem>>, vector<1x4352xf32>
      tpu.vector_store %arg4[%swap3A_221, %swap3A_222], %get3A_220 {strides = array<i32>} : memref<8x4352xf32, #tpu.memory_space<vmem>>, vector<1x4352xf32>,
      %get3A_224 = arith.constant 0 : index
      %get3A_225 = arith.constant 0 : index
      %get3A_226 = arith.constant 2 : index
      %get3A_227 = vector.load %arg1[%get3A_224, %get3A_225, %get3A_226] : memref<1x1x4608xf32, #tpu.memory_space<vmem>>, vector<1x1x4352xf32>
      %get3A_228 = vector.shape_cast %get3A_227 : vector<1x1x4352xf32> to vector<1x4352xf32>
      %swap3A_229 = arith.constant 6 : index
      %swap3A_230 = arith.constant 0 : index
      %swap3A_231 = vector.load %arg4[%swap3A_229, %swap3A_230] : memref<8x4352xf32, #tpu.memory_space<vmem>>, vector<1x4352xf32>
      tpu.vector_store %arg4[%swap3A_229, %swap3A_230], %get3A_228 {strides = array<i32>} : memref<8x4352xf32, #tpu.memory_space<vmem>>, vector<1x4352xf32>,
      %get3A_232 = arith.constant 0 : index
      %get3A_233 = arith.constant 0 : index
      %get3A_234 = arith.constant 1 : index
      %get3A_235 = vector.load %arg1[%get3A_232, %get3A_233, %get3A_234] : memref<1x1x4608xf32, #tpu.memory_space<vmem>>, vector<1x1x4352xf32>
      %get3A_236 = vector.shape_cast %get3A_235 : vector<1x1x4352xf32> to vector<1x4352xf32>
      %swap3A_237 = arith.constant 7 : index
      %swap3A_238 = arith.constant 0 : index
      %swap3A_239 = vector.load %arg4[%swap3A_237, %swap3A_238] : memref<8x4352xf32, #tpu.memory_space<vmem>>, vector<1x4352xf32>
      tpu.vector_store %arg4[%swap3A_237, %swap3A_238], %get3A_236 {strides = array<i32>} : memref<8x4352xf32, #tpu.memory_space<vmem>>, vector<1x4352xf32>,
      %get3A_240 = arith.constant 0 : index
      %get3A_241 = arith.constant 120 : index
      %get3A_242 = vector.load %arg4[%get3A_240, %get3A_241] : memref<8x4352xf32, #tpu.memory_space<vmem>>, vector<8x4096xf32>
      %swap3A_243 = arith.constant 0 : index
      %swap3A_244 = arith.constant 0 : index
      %swap3A_245 = arith.constant 0 : index
      %swap3A_246 = vector.load %arg5[%swap3A_243, %swap3A_244, %swap3A_245] : memref<3x128x4096xf32, #tpu.memory_space<vmem>>, vector<1x8x4096xf32>
      %swap3A_247 = vector.shape_cast %swap3A_246 : vector<1x8x4096xf32> to vector<8x4096xf32>
      %swap3A_248 = vector.shape_cast %get3A_242 : vector<8x4096xf32> to vector<1x8x4096xf32>
      tpu.vector_store %arg5[%swap3A_243, %swap3A_244, %swap3A_245], %swap3A_248 {strides = array<i32>} : memref<3x128x4096xf32, #tpu.memory_space<vmem>>, vector<1x8x4096xf32>,
      %get3A_249 = arith.constant 0 : index
      %get3A_250 = arith.constant 112 : index
      %get3A_251 = vector.load %arg4[%get3A_249, %get3A_250] : memref<8x4352xf32, #tpu.memory_space<vmem>>, vector<8x4096xf32>
      %swap3A_252 = arith.constant 0 : index
      %swap3A_253 = arith.constant 8 : index
      %swap3A_254 = arith.constant 0 : index
      %swap3A_255 = vector.load %arg5[%swap3A_252, %swap3A_253, %swap3A_254] : memref<3x128x4096xf32, #tpu.memory_space<vmem>>, vector<1x8x4096xf32>
      %swap3A_256 = vector.shape_cast %swap3A_255 : vector<1x8x4096xf32> to vector<8x4096xf32>
      %swap3A_257 = vector.shape_cast %get3A_251 : vector<8x4096xf32> to vector<1x8x4096xf32>
      tpu.vector_store %arg5[%swap3A_252, %swap3A_253, %swap3A_254], %swap3A_257 {strides = array<i32>} : memref<3x128x4096xf32, #tpu.memory_space<vmem>>, vector<1x8x4096xf32>,
      %get3A_258 = arith.constant 0 : index
      %get3A_259 = arith.constant 104 : index
      %get3A_260 = vector.load %arg4[%get3A_258, %get3A_259] : memref<8x4352xf32, #tpu.memory_space<vmem>>, vector<8x4096xf32>
      %swap3A_261 = arith.constant 0 : index
      %swap3A_262 = arith.constant 16 : index
      %swap3A_263 = arith.constant 0 : index
      %swap3A_264 = vector.load %arg5[%swap3A_261, %swap3A_262, %swap3A_263] : memref<3x128x4096xf32, #tpu.memory_space<vmem>>, vector<1x8x4096xf32>
      %swap3A_265 = vector.shape_cast %swap3A_264 : vector<1x8x4096xf32> to vector<8x4096xf32>
      %swap3A_266 = vector.shape_cast %get3A_260 : vector<8x4096xf32> to vector<1x8x4096xf32>
      tpu.vector_store %arg5[%swap3A_261, %swap3A_262, %swap3A_263], %swap3A_266 {strides = array<i32>} : memref<3x128x4096xf32, #tpu.memory_space<vmem>>, vector<1x8x4096xf32>,
      %get3A_267 = arith.constant 0 : index
      %get3A_268 = arith.constant 96 : index
      %get3A_269 = vector.load %arg4[%get3A_267, %get3A_268] : memref<8x4352xf32, #tpu.memory_space<vmem>>, vector<8x4096xf32>
      %swap3A_270 = arith.constant 0 : index
      %swap3A_271 = arith.constant 24 : index
      %swap3A_272 = arith.constant 0 : index
      %swap3A_273 = vector.load %arg5[%swap3A_270, %swap3A_271, %swap3A_272] : memref<3x128x4096xf32, #tpu.memory_space<vmem>>, vector<1x8x4096xf32>
      %swap3A_274 = vector.shape_cast %swap3A_273 : vector<1x8x4096xf32> to vector<8x4096xf32>
      %swap3A_275 = vector.shape_cast %get3A_269 : vector<8x4096xf32> to vector<1x8x4096xf32>
      tpu.vector_store %arg5[%swap3A_270, %swap3A_271, %swap3A_272], %swap3A_275 {strides = array<i32>} : memref<3x128x4096xf32, #tpu.memory_space<vmem>>, vector<1x8x4096xf32>,
      %get3A_276 = arith.constant 0 : index
      %get3A_277 = arith.constant 88 : index
      %get3A_278 = vector.load %arg4[%get3A_276, %get3A_277] : memref<8x4352xf32, #tpu.memory_space<vmem>>, vector<8x4096xf32>
      %swap3A_279 = arith.constant 0 : index
      %swap3A_280 = arith.constant 32 : index
      %swap3A_281 = arith.constant 0 : index
      %swap3A_282 = vector.load %arg5[%swap3A_279, %swap3A_280, %swap3A_281] : memref<3x128x4096xf32, #tpu.memory_space<vmem>>, vector<1x8x4096xf32>
      %swap3A_283 = vector.shape_cast %swap3A_282 : vector<1x8x4096xf32> to vector<8x4096xf32>
      %swap3A_284 = vector.shape_cast %get3A_278 : vector<8x4096xf32> to vector<1x8x4096xf32>
      tpu.vector_store %arg5[%swap3A_279, %swap3A_280, %swap3A_281], %swap3A_284 {strides = array<i32>} : memref<3x128x4096xf32, #tpu.memory_space<vmem>>, vector<1x8x4096xf32>,
      %get3A_285 = arith.constant 0 : index
      %get3A_286 = arith.constant 80 : index
      %get3A_287 = vector.load %arg4[%get3A_285, %get3A_286] : memref<8x4352xf32, #tpu.memory_space<vmem>>, vector<8x4096xf32>
      %swap3A_288 = arith.constant 0 : index
      %swap3A_289 = arith.constant 40 : index
      %swap3A_290 = arith.constant 0 : index
      %swap3A_291 = vector.load %arg5[%swap3A_288, %swap3A_289, %swap3A_290] : memref<3x128x4096xf32, #tpu.memory_space<vmem>>, vector<1x8x4096xf32>
      %swap3A_292 = vector.shape_cast %swap3A_291 : vector<1x8x4096xf32> to vector<8x4096xf32>
      %swap3A_293 = vector.shape_cast %get3A_287 : vector<8x4096xf32> to vector<1x8x4096xf32>
      tpu.vector_store %arg5[%swap3A_288, %swap3A_289, %swap3A_290], %swap3A_293 {strides = array<i32>} : memref<3x128x4096xf32, #tpu.memory_space<vmem>>, vector<1x8x4096xf32>,
      %get3A_294 = arith.constant 0 : index
      %get3A_295 = arith.constant 72 : index
      %get3A_296 = vector.load %arg4[%get3A_294, %get3A_295] : memref<8x4352xf32, #tpu.memory_space<vmem>>, vector<8x4096xf32>
      %swap3A_297 = arith.constant 0 : index
      %swap3A_298 = arith.constant 48 : index
      %swap3A_299 = arith.constant 0 : index
      %swap3A_300 = vector.load %arg5[%swap3A_297, %swap3A_298, %swap3A_299] : memref<3x128x4096xf32, #tpu.memory_space<vmem>>, vector<1x8x4096xf32>
      %swap3A_301 = vector.shape_cast %swap3A_300 : vector<1x8x4096xf32> to vector<8x4096xf32>
      %swap3A_302 = vector.shape_cast %get3A_296 : vector<8x4096xf32> to vector<1x8x4096xf32>
      tpu.vector_store %arg5[%swap3A_297, %swap3A_298, %swap3A_299], %swap3A_302 {strides = array<i32>} : memref<3x128x4096xf32, #tpu.memory_space<vmem>>, vector<1x8x4096xf32>,
      %get3A_303 = arith.constant 0 : index
      %get3A_304 = arith.constant 64 : index
      %get3A_305 = vector.load %arg4[%get3A_303, %get3A_304] : memref<8x4352xf32, #tpu.memory_space<vmem>>, vector<8x4096xf32>
      %swap3A_306 = arith.constant 0 : index
      %swap3A_307 = arith.constant 56 : index
      %swap3A_308 = arith.constant 0 : index
      %swap3A_309 = vector.load %arg5[%swap3A_306, %swap3A_307, %swap3A_308] : memref<3x128x4096xf32, #tpu.memory_space<vmem>>, vector<1x8x4096xf32>
      %swap3A_310 = vector.shape_cast %swap3A_309 : vector<1x8x4096xf32> to vector<8x4096xf32>
      %swap3A_311 = vector.shape_cast %get3A_305 : vector<8x4096xf32> to vector<1x8x4096xf32>
      tpu.vector_store %arg5[%swap3A_306, %swap3A_307, %swap3A_308], %swap3A_311 {strides = array<i32>} : memref<3x128x4096xf32, #tpu.memory_space<vmem>>, vector<1x8x4096xf32>,
      %get3A_312 = arith.constant 0 : index
      %get3A_313 = arith.constant 56 : index
      %get3A_314 = vector.load %arg4[%get3A_312, %get3A_313] : memref<8x4352xf32, #tpu.memory_space<vmem>>, vector<8x4096xf32>
      %swap3A_315 = arith.constant 0 : index
      %swap3A_316 = arith.constant 64 : index
      %swap3A_317 = arith.constant 0 : index
      %swap3A_318 = vector.load %arg5[%swap3A_315, %swap3A_316, %swap3A_317] : memref<3x128x4096xf32, #tpu.memory_space<vmem>>, vector<1x8x4096xf32>
      %swap3A_319 = vector.shape_cast %swap3A_318 : vector<1x8x4096xf32> to vector<8x4096xf32>
      %swap3A_320 = vector.shape_cast %get3A_314 : vector<8x4096xf32> to vector<1x8x4096xf32>
      tpu.vector_store %arg5[%swap3A_315, %swap3A_316, %swap3A_317], %swap3A_320 {strides = array<i32>} : memref<3x128x4096xf32, #tpu.memory_space<vmem>>, vector<1x8x4096xf32>,
      %get3A_321 = arith.constant 0 : index
      %get3A_322 = arith.constant 48 : index
      %get3A_323 = vector.load %arg4[%get3A_321, %get3A_322] : memref<8x4352xf32, #tpu.memory_space<vmem>>, vector<8x4096xf32>
      %swap3A_324 = arith.constant 0 : index
      %swap3A_325 = arith.constant 72 : index
      %swap3A_326 = arith.constant 0 : index
      %swap3A_327 = vector.load %arg5[%swap3A_324, %swap3A_325, %swap3A_326] : memref<3x128x4096xf32, #tpu.memory_space<vmem>>, vector<1x8x4096xf32>
      %swap3A_328 = vector.shape_cast %swap3A_327 : vector<1x8x4096xf32> to vector<8x4096xf32>
      %swap3A_329 = vector.shape_cast %get3A_323 : vector<8x4096xf32> to vector<1x8x4096xf32>
      tpu.vector_store %arg5[%swap3A_324, %swap3A_325, %swap3A_326], %swap3A_329 {strides = array<i32>} : memref<3x128x4096xf32, #tpu.memory_space<vmem>>, vector<1x8x4096xf32>,
      %get3A_330 = arith.constant 0 : index
      %get3A_331 = arith.constant 40 : index
      %get3A_332 = vector.load %arg4[%get3A_330, %get3A_331] : memref<8x4352xf32, #tpu.memory_space<vmem>>, vector<8x4096xf32>
      %swap3A_333 = arith.constant 0 : index
      %swap3A_334 = arith.constant 80 : index
      %swap3A_335 = arith.constant 0 : index
      %swap3A_336 = vector.load %arg5[%swap3A_333, %swap3A_334, %swap3A_335] : memref<3x128x4096xf32, #tpu.memory_space<vmem>>, vector<1x8x4096xf32>
      %swap3A_337 = vector.shape_cast %swap3A_336 : vector<1x8x4096xf32> to vector<8x4096xf32>
      %swap3A_338 = vector.shape_cast %get3A_332 : vector<8x4096xf32> to vector<1x8x4096xf32>
      tpu.vector_store %arg5[%swap3A_333, %swap3A_334, %swap3A_335], %swap3A_338 {strides = array<i32>} : memref<3x128x4096xf32, #tpu.memory_space<vmem>>, vector<1x8x4096xf32>,
      %get3A_339 = arith.constant 0 : index
      %get3A_340 = arith.constant 32 : index
      %get3A_341 = vector.load %arg4[%get3A_339, %get3A_340] : memref<8x4352xf32, #tpu.memory_space<vmem>>, vector<8x4096xf32>
      %swap3A_342 = arith.constant 0 : index
      %swap3A_343 = arith.constant 88 : index
      %swap3A_344 = arith.constant 0 : index
      %swap3A_345 = vector.load %arg5[%swap3A_342, %swap3A_343, %swap3A_344] : memref<3x128x4096xf32, #tpu.memory_space<vmem>>, vector<1x8x4096xf32>
      %swap3A_346 = vector.shape_cast %swap3A_345 : vector<1x8x4096xf32> to vector<8x4096xf32>
      %swap3A_347 = vector.shape_cast %get3A_341 : vector<8x4096xf32> to vector<1x8x4096xf32>
      tpu.vector_store %arg5[%swap3A_342, %swap3A_343, %swap3A_344], %swap3A_347 {strides = array<i32>} : memref<3x128x4096xf32, #tpu.memory_space<vmem>>, vector<1x8x4096xf32>,
      %get3A_348 = arith.constant 0 : index
      %get3A_349 = arith.constant 24 : index
      %get3A_350 = vector.load %arg4[%get3A_348, %get3A_349] : memref<8x4352xf32, #tpu.memory_space<vmem>>, vector<8x4096xf32>
      %swap3A_351 = arith.constant 0 : index
      %swap3A_352 = arith.constant 96 : index
      %swap3A_353 = arith.constant 0 : index
      %swap3A_354 = vector.load %arg5[%swap3A_351, %swap3A_352, %swap3A_353] : memref<3x128x4096xf32, #tpu.memory_space<vmem>>, vector<1x8x4096xf32>
      %swap3A_355 = vector.shape_cast %swap3A_354 : vector<1x8x4096xf32> to vector<8x4096xf32>
      %swap3A_356 = vector.shape_cast %get3A_350 : vector<8x4096xf32> to vector<1x8x4096xf32>
      tpu.vector_store %arg5[%swap3A_351, %swap3A_352, %swap3A_353], %swap3A_356 {strides = array<i32>} : memref<3x128x4096xf32, #tpu.memory_space<vmem>>, vector<1x8x4096xf32>,
      %get3A_357 = arith.constant 0 : index
      %get3A_358 = arith.constant 16 : index
      %get3A_359 = vector.load %arg4[%get3A_357, %get3A_358] : memref<8x4352xf32, #tpu.memory_space<vmem>>, vector<8x4096xf32>
      %swap3A_360 = arith.constant 0 : index
      %swap3A_361 = arith.constant 104 : index
      %swap3A_362 = arith.constant 0 : index
      %swap3A_363 = vector.load %arg5[%swap3A_360, %swap3A_361, %swap3A_362] : memref<3x128x4096xf32, #tpu.memory_space<vmem>>, vector<1x8x4096xf32>
      %swap3A_364 = vector.shape_cast %swap3A_363 : vector<1x8x4096xf32> to vector<8x4096xf32>
      %swap3A_365 = vector.shape_cast %get3A_359 : vector<8x4096xf32> to vector<1x8x4096xf32>
      tpu.vector_store %arg5[%swap3A_360, %swap3A_361, %swap3A_362], %swap3A_365 {strides = array<i32>} : memref<3x128x4096xf32, #tpu.memory_space<vmem>>, vector<1x8x4096xf32>,
      %get3A_366 = arith.constant 0 : index
      %get3A_367 = arith.constant 8 : index
      %get3A_368 = vector.load %arg4[%get3A_366, %get3A_367] : memref<8x4352xf32, #tpu.memory_space<vmem>>, vector<8x4096xf32>
      %swap3A_369 = arith.constant 0 : index
      %swap3A_370 = arith.constant 112 : index
      %swap3A_371 = arith.constant 0 : index
      %swap3A_372 = vector.load %arg5[%swap3A_369, %swap3A_370, %swap3A_371] : memref<3x128x4096xf32, #tpu.memory_space<vmem>>, vector<1x8x4096xf32>
      %swap3A_373 = vector.shape_cast %swap3A_372 : vector<1x8x4096xf32> to vector<8x4096xf32>
      %swap3A_374 = vector.shape_cast %get3A_368 : vector<8x4096xf32> to vector<1x8x4096xf32>
      tpu.vector_store %arg5[%swap3A_369, %swap3A_370, %swap3A_371], %swap3A_374 {strides = array<i32>} : memref<3x128x4096xf32, #tpu.memory_space<vmem>>, vector<1x8x4096xf32>,
      %get3A_375 = arith.constant 0 : index
      %get3A_376 = arith.constant 0 : index
      %get3A_377 = vector.load %arg4[%get3A_375, %get3A_376] : memref<8x4352xf32, #tpu.memory_space<vmem>>, vector<8x4096xf32>
      %swap3A_378 = arith.constant 0 : index
      %swap3A_379 = arith.constant 120 : index
      %swap3A_380 = arith.constant 0 : index
      %swap3A_381 = vector.load %arg5[%swap3A_378, %swap3A_379, %swap3A_380] : memref<3x128x4096xf32, #tpu.memory_space<vmem>>, vector<1x8x4096xf32>
      %swap3A_382 = vector.shape_cast %swap3A_381 : vector<1x8x4096xf32> to vector<8x4096xf32>
      %swap3A_383 = vector.shape_cast %get3A_377 : vector<8x4096xf32> to vector<1x8x4096xf32>
      tpu.vector_store %arg5[%swap3A_378, %swap3A_379, %swap3A_380], %swap3A_383 {strides = array<i32>} : memref<3x128x4096xf32, #tpu.memory_space<vmem>>, vector<1x8x4096xf32>,
    } else {
    }
    %dma_start3A = tpu.memref_slice %arg6[%rem3A_0] : memref<3x!tpu.dma_semaphore, #tpu.memory_space<semaphore_mem>> -> memref<1x!tpu.dma_semaphore, #tpu.memory_space<semaphore_mem>>
    %dma_start3A_6 = tpu.memref_squeeze %dma_start3A : memref<1x!tpu.dma_semaphore, #tpu.memory_space<semaphore_mem>> -> memref<!tpu.dma_semaphore, #tpu.memory_space<semaphore_mem>>
    %dma_start3A_7 = arith.constant 0 : i32
    %dma_start3A_8 = arith.constant 0 : i32
    %dma_start3A_9 = tpu.memref_slice %arg3[%arg0, %dma_start3A_7, %dma_start3A_8] : memref<16x2048x2048xf32, #tpu.memory_space<any>> -> memref<1x128x2048xf32, #tpu.memory_space<any>>
    %dma_start3A_10 = tpu.memref_squeeze %dma_start3A_9 : memref<1x128x2048xf32, #tpu.memory_space<any>> -> memref<128x2048xf32, #tpu.memory_space<any>>
    %dma_start3A_11 = arith.constant 0 : i32
    %dma_start3A_12 = arith.constant 2048 : i32
    %dma_start3A_13 = tpu.memref_slice %arg5[%rem3A_0, %dma_start3A_11, %dma_start3A_12] : memref<3x128x4096xf32, #tpu.memory_space<vmem>> -> memref<1x128x2048xf32, #tpu.memory_space<vmem>>
    %dma_start3A_14 = tpu.memref_squeeze %dma_start3A_13 : memref<1x128x2048xf32, #tpu.memory_space<vmem>> -> memref<128x2048xf32, #tpu.memory_space<vmem>>
    tpu.enqueue_dma source(%dma_start3A_14 : memref<128x2048xf32, #tpu.memory_space<vmem>>) target(%dma_start3A_10 : memref<128x2048xf32, #tpu.memory_space<any>>) target_semaphore(%dma_start3A_6 : memref<!tpu.dma_semaphore, #tpu.memory_space<semaphore_mem>>)
    %dma_start3A_15 = tpu.memref_slice %arg6[%rem3A_0] : memref<3x!tpu.dma_semaphore, #tpu.memory_space<semaphore_mem>> -> memref<1x!tpu.dma_semaphore, #tpu.memory_space<semaphore_mem>>
    %dma_start3A_16 = tpu.memref_squeeze %dma_start3A_15 : memref<1x!tpu.dma_semaphore, #tpu.memory_space<semaphore_mem>> -> memref<!tpu.dma_semaphore, #tpu.memory_space<semaphore_mem>>
    %dma_start3A_17 = arith.constant 128 : i32
    %dma_start3A_18 = arith.constant 0 : i32
    %dma_start3A_19 = tpu.memref_slice %arg3[%arg0, %dma_start3A_17, %dma_start3A_18] : memref<16x2048x2048xf32, #tpu.memory_space<any>> -> memref<1x128x2048xf32, #tpu.memory_space<any>>
    %dma_start3A_20 = tpu.memref_squeeze %dma_start3A_19 : memref<1x128x2048xf32, #tpu.memory_space<any>> -> memref<128x2048xf32, #tpu.memory_space<any>>
    %dma_start3A_21 = arith.constant 0 : i32
    %dma_start3A_22 = arith.constant 1920 : i32
    %dma_start3A_23 = tpu.memref_slice %arg5[%rem3A_0, %dma_start3A_21, %dma_start3A_22] : memref<3x128x4096xf32, #tpu.memory_space<vmem>> -> memref<1x128x2048xf32, #tpu.memory_space<vmem>>
    %dma_start3A_24 = tpu.memref_squeeze %dma_start3A_23 : memref<1x128x2048xf32, #tpu.memory_space<vmem>> -> memref<128x2048xf32, #tpu.memory_space<vmem>>
    tpu.enqueue_dma source(%dma_start3A_24 : memref<128x2048xf32, #tpu.memory_space<vmem>>) target(%dma_start3A_20 : memref<128x2048xf32, #tpu.memory_space<any>>) target_semaphore(%dma_start3A_16 : memref<!tpu.dma_semaphore, #tpu.memory_space<semaphore_mem>>)
    %dma_start3A_25 = tpu.memref_slice %arg6[%rem3A_0] : memref<3x!tpu.dma_semaphore, #tpu.memory_space<semaphore_mem>> -> memref<1x!tpu.dma_semaphore, #tpu.memory_space<semaphore_mem>>
    %dma_start3A_26 = tpu.memref_squeeze %dma_start3A_25 : memref<1x!tpu.dma_semaphore, #tpu.memory_space<semaphore_mem>> -> memref<!tpu.dma_semaphore, #tpu.memory_space<semaphore_mem>>
    %dma_start3A_27 = arith.constant 256 : i32
    %dma_start3A_28 = arith.constant 0 : i32
    %dma_start3A_29 = tpu.memref_slice %arg3[%arg0, %dma_start3A_27, %dma_start3A_28] : memref<16x2048x2048xf32, #tpu.memory_space<any>> -> memref<1x128x2048xf32, #tpu.memory_space<any>>
    %dma_start3A_30 = tpu.memref_squeeze %dma_start3A_29 : memref<1x128x2048xf32, #tpu.memory_space<any>> -> memref<128x2048xf32, #tpu.memory_space<any>>
    %dma_start3A_31 = arith.constant 0 : i32
    %dma_start3A_32 = arith.constant 1792 : i32
    %dma_start3A_33 = tpu.memref_slice %arg5[%rem3A_0, %dma_start3A_31, %dma_start3A_32] : memref<3x128x4096xf32, #tpu.memory_space<vmem>> -> memref<1x128x2048xf32, #tpu.memory_space<vmem>>
    %dma_start3A_34 = tpu.memref_squeeze %dma_start3A_33 : memref<1x128x2048xf32, #tpu.memory_space<vmem>> -> memref<128x2048xf32, #tpu.memory_space<vmem>>
    tpu.enqueue_dma source(%dma_start3A_34 : memref<128x2048xf32, #tpu.memory_space<vmem>>) target(%dma_start3A_30 : memref<128x2048xf32, #tpu.memory_space<any>>) target_semaphore(%dma_start3A_26 : memref<!tpu.dma_semaphore, #tpu.memory_space<semaphore_mem>>)
    %dma_start3A_35 = tpu.memref_slice %arg6[%rem3A_0] : memref<3x!tpu.dma_semaphore, #tpu.memory_space<semaphore_mem>> -> memref<1x!tpu.dma_semaphore, #tpu.memory_space<semaphore_mem>>
    %dma_start3A_36 = tpu.memref_squeeze %dma_start3A_35 : memref<1x!tpu.dma_semaphore, #tpu.memory_space<semaphore_mem>> -> memref<!tpu.dma_semaphore, #tpu.memory_space<semaphore_mem>>
    %dma_start3A_37 = arith.constant 384 : i32
    %dma_start3A_38 = arith.constant 0 : i32
    %dma_start3A_39 = tpu.memref_slice %arg3[%arg0, %dma_start3A_37, %dma_start3A_38] : memref<16x2048x2048xf32, #tpu.memory_space<any>> -> memref<1x128x2048xf32, #tpu.memory_space<any>>
    %dma_start3A_40 = tpu.memref_squeeze %dma_start3A_39 : memref<1x128x2048xf32, #tpu.memory_space<any>> -> memref<128x2048xf32, #tpu.memory_space<any>>
    %dma_start3A_41 = arith.constant 0 : i32
    %dma_start3A_42 = arith.constant 1664 : i32
    %dma_start3A_43 = tpu.memref_slice %arg5[%rem3A_0, %dma_start3A_41, %dma_start3A_42] : memref<3x128x4096xf32, #tpu.memory_space<vmem>> -> memref<1x128x2048xf32, #tpu.memory_space<vmem>>
    %dma_start3A_44 = tpu.memref_squeeze %dma_start3A_43 : memref<1x128x2048xf32, #tpu.memory_space<vmem>> -> memref<128x2048xf32, #tpu.memory_space<vmem>>
    tpu.enqueue_dma source(%dma_start3A_44 : memref<128x2048xf32, #tpu.memory_space<vmem>>) target(%dma_start3A_40 : memref<128x2048xf32, #tpu.memory_space<any>>) target_semaphore(%dma_start3A_36 : memref<!tpu.dma_semaphore, #tpu.memory_space<semaphore_mem>>)
    %dma_start3A_45 = tpu.memref_slice %arg6[%rem3A_0] : memref<3x!tpu.dma_semaphore, #tpu.memory_space<semaphore_mem>> -> memref<1x!tpu.dma_semaphore, #tpu.memory_space<semaphore_mem>>
    %dma_start3A_46 = tpu.memref_squeeze %dma_start3A_45 : memref<1x!tpu.dma_semaphore, #tpu.memory_space<semaphore_mem>> -> memref<!tpu.dma_semaphore, #tpu.memory_space<semaphore_mem>>
    %dma_start3A_47 = arith.constant 512 : i32
    %dma_start3A_48 = arith.constant 0 : i32
    %dma_start3A_49 = tpu.memref_slice %arg3[%arg0, %dma_start3A_47, %dma_start3A_48] : memref<16x2048x2048xf32, #tpu.memory_space<any>> -> memref<1x128x2048xf32, #tpu.memory_space<any>>
    %dma_start3A_50 = tpu.memref_squeeze %dma_start3A_49 : memref<1x128x2048xf32, #tpu.memory_space<any>> -> memref<128x2048xf32, #tpu.memory_space<any>>
    %dma_start3A_51 = arith.constant 0 : i32
    %dma_start3A_52 = arith.constant 1536 : i32
    %dma_start3A_53 = tpu.memref_slice %arg5[%rem3A_0, %dma_start3A_51, %dma_start3A_52] : memref<3x128x4096xf32, #tpu.memory_space<vmem>> -> memref<1x128x2048xf32, #tpu.memory_space<vmem>>
    %dma_start3A_54 = tpu.memref_squeeze %dma_start3A_53 : memref<1x128x2048xf32, #tpu.memory_space<vmem>> -> memref<128x2048xf32, #tpu.memory_space<vmem>>
    tpu.enqueue_dma source(%dma_start3A_54 : memref<128x2048xf32, #tpu.memory_space<vmem>>) target(%dma_start3A_50 : memref<128x2048xf32, #tpu.memory_space<any>>) target_semaphore(%dma_start3A_46 : memref<!tpu.dma_semaphore, #tpu.memory_space<semaphore_mem>>)
    %dma_start3A_55 = tpu.memref_slice %arg6[%rem3A_0] : memref<3x!tpu.dma_semaphore, #tpu.memory_space<semaphore_mem>> -> memref<1x!tpu.dma_semaphore, #tpu.memory_space<semaphore_mem>>
    %dma_start3A_56 = tpu.memref_squeeze %dma_start3A_55 : memref<1x!tpu.dma_semaphore, #tpu.memory_space<semaphore_mem>> -> memref<!tpu.dma_semaphore, #tpu.memory_space<semaphore_mem>>
    %dma_start3A_57 = arith.constant 640 : i32
    %dma_start3A_58 = arith.constant 0 : i32
    %dma_start3A_59 = tpu.memref_slice %arg3[%arg0, %dma_start3A_57, %dma_start3A_58] : memref<16x2048x2048xf32, #tpu.memory_space<any>> -> memref<1x128x2048xf32, #tpu.memory_space<any>>
    %dma_start3A_60 = tpu.memref_squeeze %dma_start3A_59 : memref<1x128x2048xf32, #tpu.memory_space<any>> -> memref<128x2048xf32, #tpu.memory_space<any>>
    %dma_start3A_61 = arith.constant 0 : i32
    %dma_start3A_62 = arith.constant 1408 : i32
    %dma_start3A_63 = tpu.memref_slice %arg5[%rem3A_0, %dma_start3A_61, %dma_start3A_62] : memref<3x128x4096xf32, #tpu.memory_space<vmem>> -> memref<1x128x2048xf32, #tpu.memory_space<vmem>>
    %dma_start3A_64 = tpu.memref_squeeze %dma_start3A_63 : memref<1x128x2048xf32, #tpu.memory_space<vmem>> -> memref<128x2048xf32, #tpu.memory_space<vmem>>
    tpu.enqueue_dma source(%dma_start3A_64 : memref<128x2048xf32, #tpu.memory_space<vmem>>) target(%dma_start3A_60 : memref<128x2048xf32, #tpu.memory_space<any>>) target_semaphore(%dma_start3A_56 : memref<!tpu.dma_semaphore, #tpu.memory_space<semaphore_mem>>)
    %dma_start3A_65 = tpu.memref_slice %arg6[%rem3A_0] : memref<3x!tpu.dma_semaphore, #tpu.memory_space<semaphore_mem>> -> memref<1x!tpu.dma_semaphore, #tpu.memory_space<semaphore_mem>>
    %dma_start3A_66 = tpu.memref_squeeze %dma_start3A_65 : memref<1x!tpu.dma_semaphore, #tpu.memory_space<semaphore_mem>> -> memref<!tpu.dma_semaphore, #tpu.memory_space<semaphore_mem>>
    %dma_start3A_67 = arith.constant 768 : i32
    %dma_start3A_68 = arith.constant 0 : i32
    %dma_start3A_69 = tpu.memref_slice %arg3[%arg0, %dma_start3A_67, %dma_start3A_68] : memref<16x2048x2048xf32, #tpu.memory_space<any>> -> memref<1x128x2048xf32, #tpu.memory_space<any>>
    %dma_start3A_70 = tpu.memref_squeeze %dma_start3A_69 : memref<1x128x2048xf32, #tpu.memory_space<any>> -> memref<128x2048xf32, #tpu.memory_space<any>>
    %dma_start3A_71 = arith.constant 0 : i32
    %dma_start3A_72 = arith.constant 1280 : i32
    %dma_start3A_73 = tpu.memref_slice %arg5[%rem3A_0, %dma_start3A_71, %dma_start3A_72] : memref<3x128x4096xf32, #tpu.memory_space<vmem>> -> memref<1x128x2048xf32, #tpu.memory_space<vmem>>
    %dma_start3A_74 = tpu.memref_squeeze %dma_start3A_73 : memref<1x128x2048xf32, #tpu.memory_space<vmem>> -> memref<128x2048xf32, #tpu.memory_space<vmem>>
    tpu.enqueue_dma source(%dma_start3A_74 : memref<128x2048xf32, #tpu.memory_space<vmem>>) target(%dma_start3A_70 : memref<128x2048xf32, #tpu.memory_space<any>>) target_semaphore(%dma_start3A_66 : memref<!tpu.dma_semaphore, #tpu.memory_space<semaphore_mem>>)
    %dma_start3A_75 = tpu.memref_slice %arg6[%rem3A_0] : memref<3x!tpu.dma_semaphore, #tpu.memory_space<semaphore_mem>> -> memref<1x!tpu.dma_semaphore, #tpu.memory_space<semaphore_mem>>
    %dma_start3A_76 = tpu.memref_squeeze %dma_start3A_75 : memref<1x!tpu.dma_semaphore, #tpu.memory_space<semaphore_mem>> -> memref<!tpu.dma_semaphore, #tpu.memory_space<semaphore_mem>>
    %dma_start3A_77 = arith.constant 896 : i32
    %dma_start3A_78 = arith.constant 0 : i32
    %dma_start3A_79 = tpu.memref_slice %arg3[%arg0, %dma_start3A_77, %dma_start3A_78] : memref<16x2048x2048xf32, #tpu.memory_space<any>> -> memref<1x128x2048xf32, #tpu.memory_space<any>>
    %dma_start3A_80 = tpu.memref_squeeze %dma_start3A_79 : memref<1x128x2048xf32, #tpu.memory_space<any>> -> memref<128x2048xf32, #tpu.memory_space<any>>
    %dma_start3A_81 = arith.constant 0 : i32
    %dma_start3A_82 = arith.constant 1152 : i32
    %dma_start3A_83 = tpu.memref_slice %arg5[%rem3A_0, %dma_start3A_81, %dma_start3A_82] : memref<3x128x4096xf32, #tpu.memory_space<vmem>> -> memref<1x128x2048xf32, #tpu.memory_space<vmem>>
    %dma_start3A_84 = tpu.memref_squeeze %dma_start3A_83 : memref<1x128x2048xf32, #tpu.memory_space<vmem>> -> memref<128x2048xf32, #tpu.memory_space<vmem>>
    tpu.enqueue_dma source(%dma_start3A_84 : memref<128x2048xf32, #tpu.memory_space<vmem>>) target(%dma_start3A_80 : memref<128x2048xf32, #tpu.memory_space<any>>) target_semaphore(%dma_start3A_76 : memref<!tpu.dma_semaphore, #tpu.memory_space<semaphore_mem>>)
    %dma_start3A_85 = tpu.memref_slice %arg6[%rem3A_0] : memref<3x!tpu.dma_semaphore, #tpu.memory_space<semaphore_mem>> -> memref<1x!tpu.dma_semaphore, #tpu.memory_space<semaphore_mem>>
    %dma_start3A_86 = tpu.memref_squeeze %dma_start3A_85 : memref<1x!tpu.dma_semaphore, #tpu.memory_space<semaphore_mem>> -> memref<!tpu.dma_semaphore, #tpu.memory_space<semaphore_mem>>
    %dma_start3A_87 = arith.constant 1024 : i32
    %dma_start3A_88 = arith.constant 0 : i32
    %dma_start3A_89 = tpu.memref_slice %arg3[%arg0, %dma_start3A_87, %dma_start3A_88] : memref<16x2048x2048xf32, #tpu.memory_space<any>> -> memref<1x128x2048xf32, #tpu.memory_space<any>>
    %dma_start3A_90 = tpu.memref_squeeze %dma_start3A_89 : memref<1x128x2048xf32, #tpu.memory_space<any>> -> memref<128x2048xf32, #tpu.memory_space<any>>
    %dma_start3A_91 = arith.constant 0 : i32
    %dma_start3A_92 = arith.constant 1024 : i32
    %dma_start3A_93 = tpu.memref_slice %arg5[%rem3A_0, %dma_start3A_91, %dma_start3A_92] : memref<3x128x4096xf32, #tpu.memory_space<vmem>> -> memref<1x128x2048xf32, #tpu.memory_space<vmem>>
    %dma_start3A_94 = tpu.memref_squeeze %dma_start3A_93 : memref<1x128x2048xf32, #tpu.memory_space<vmem>> -> memref<128x2048xf32, #tpu.memory_space<vmem>>
    tpu.enqueue_dma source(%dma_start3A_94 : memref<128x2048xf32, #tpu.memory_space<vmem>>) target(%dma_start3A_90 : memref<128x2048xf32, #tpu.memory_space<any>>) target_semaphore(%dma_start3A_86 : memref<!tpu.dma_semaphore, #tpu.memory_space<semaphore_mem>>)
    %dma_start3A_95 = tpu.memref_slice %arg6[%rem3A_0] : memref<3x!tpu.dma_semaphore, #tpu.memory_space<semaphore_mem>> -> memref<1x!tpu.dma_semaphore, #tpu.memory_space<semaphore_mem>>
    %dma_start3A_96 = tpu.memref_squeeze %dma_start3A_95 : memref<1x!tpu.dma_semaphore, #tpu.memory_space<semaphore_mem>> -> memref<!tpu.dma_semaphore, #tpu.memory_space<semaphore_mem>>
    %dma_start3A_97 = arith.constant 1152 : i32
    %dma_start3A_98 = arith.constant 0 : i32
    %dma_start3A_99 = tpu.memref_slice %arg3[%arg0, %dma_start3A_97, %dma_start3A_98] : memref<16x2048x2048xf32, #tpu.memory_space<any>> -> memref<1x128x2048xf32, #tpu.memory_space<any>>
    %dma_start3A_100 = tpu.memref_squeeze %dma_start3A_99 : memref<1x128x2048xf32, #tpu.memory_space<any>> -> memref<128x2048xf32, #tpu.memory_space<any>>
    %dma_start3A_101 = arith.constant 0 : i32
    %dma_start3A_102 = arith.constant 896 : i32
    %dma_start3A_103 = tpu.memref_slice %arg5[%rem3A_0, %dma_start3A_101, %dma_start3A_102] : memref<3x128x4096xf32, #tpu.memory_space<vmem>> -> memref<1x128x2048xf32, #tpu.memory_space<vmem>>
    %dma_start3A_104 = tpu.memref_squeeze %dma_start3A_103 : memref<1x128x2048xf32, #tpu.memory_space<vmem>> -> memref<128x2048xf32, #tpu.memory_space<vmem>>
    tpu.enqueue_dma source(%dma_start3A_104 : memref<128x2048xf32, #tpu.memory_space<vmem>>) target(%dma_start3A_100 : memref<128x2048xf32, #tpu.memory_space<any>>) target_semaphore(%dma_start3A_96 : memref<!tpu.dma_semaphore, #tpu.memory_space<semaphore_mem>>)
    %dma_start3A_105 = tpu.memref_slice %arg6[%rem3A_0] : memref<3x!tpu.dma_semaphore, #tpu.memory_space<semaphore_mem>> -> memref<1x!tpu.dma_semaphore, #tpu.memory_space<semaphore_mem>>
    %dma_start3A_106 = tpu.memref_squeeze %dma_start3A_105 : memref<1x!tpu.dma_semaphore, #tpu.memory_space<semaphore_mem>> -> memref<!tpu.dma_semaphore, #tpu.memory_space<semaphore_mem>>
    %dma_start3A_107 = arith.constant 1280 : i32
    %dma_start3A_108 = arith.constant 0 : i32
    %dma_start3A_109 = tpu.memref_slice %arg3[%arg0, %dma_start3A_107, %dma_start3A_108] : memref<16x2048x2048xf32, #tpu.memory_space<any>> -> memref<1x128x2048xf32, #tpu.memory_space<any>>
    %dma_start3A_110 = tpu.memref_squeeze %dma_start3A_109 : memref<1x128x2048xf32, #tpu.memory_space<any>> -> memref<128x2048xf32, #tpu.memory_space<any>>
    %dma_start3A_111 = arith.constant 0 : i32
    %dma_start3A_112 = arith.constant 768 : i32
    %dma_start3A_113 = tpu.memref_slice %arg5[%rem3A_0, %dma_start3A_111, %dma_start3A_112] : memref<3x128x4096xf32, #tpu.memory_space<vmem>> -> memref<1x128x2048xf32, #tpu.memory_space<vmem>>
    %dma_start3A_114 = tpu.memref_squeeze %dma_start3A_113 : memref<1x128x2048xf32, #tpu.memory_space<vmem>> -> memref<128x2048xf32, #tpu.memory_space<vmem>>
    tpu.enqueue_dma source(%dma_start3A_114 : memref<128x2048xf32, #tpu.memory_space<vmem>>) target(%dma_start3A_110 : memref<128x2048xf32, #tpu.memory_space<any>>) target_semaphore(%dma_start3A_106 : memref<!tpu.dma_semaphore, #tpu.memory_space<semaphore_mem>>)
    %dma_start3A_115 = tpu.memref_slice %arg6[%rem3A_0] : memref<3x!tpu.dma_semaphore, #tpu.memory_space<semaphore_mem>> -> memref<1x!tpu.dma_semaphore, #tpu.memory_space<semaphore_mem>>
    %dma_start3A_116 = tpu.memref_squeeze %dma_start3A_115 : memref<1x!tpu.dma_semaphore, #tpu.memory_space<semaphore_mem>> -> memref<!tpu.dma_semaphore, #tpu.memory_space<semaphore_mem>>
    %dma_start3A_117 = arith.constant 1408 : i32
    %dma_start3A_118 = arith.constant 0 : i32
    %dma_start3A_119 = tpu.memref_slice %arg3[%arg0, %dma_start3A_117, %dma_start3A_118] : memref<16x2048x2048xf32, #tpu.memory_space<any>> -> memref<1x128x2048xf32, #tpu.memory_space<any>>
    %dma_start3A_120 = tpu.memref_squeeze %dma_start3A_119 : memref<1x128x2048xf32, #tpu.memory_space<any>> -> memref<128x2048xf32, #tpu.memory_space<any>>
    %dma_start3A_121 = arith.constant 0 : i32
    %dma_start3A_122 = arith.constant 640 : i32
    %dma_start3A_123 = tpu.memref_slice %arg5[%rem3A_0, %dma_start3A_121, %dma_start3A_122] : memref<3x128x4096xf32, #tpu.memory_space<vmem>> -> memref<1x128x2048xf32, #tpu.memory_space<vmem>>
    %dma_start3A_124 = tpu.memref_squeeze %dma_start3A_123 : memref<1x128x2048xf32, #tpu.memory_space<vmem>> -> memref<128x2048xf32, #tpu.memory_space<vmem>>
    tpu.enqueue_dma source(%dma_start3A_124 : memref<128x2048xf32, #tpu.memory_space<vmem>>) target(%dma_start3A_120 : memref<128x2048xf32, #tpu.memory_space<any>>) target_semaphore(%dma_start3A_116 : memref<!tpu.dma_semaphore, #tpu.memory_space<semaphore_mem>>)
    %dma_start3A_125 = tpu.memref_slice %arg6[%rem3A_0] : memref<3x!tpu.dma_semaphore, #tpu.memory_space<semaphore_mem>> -> memref<1x!tpu.dma_semaphore, #tpu.memory_space<semaphore_mem>>
    %dma_start3A_126 = tpu.memref_squeeze %dma_start3A_125 : memref<1x!tpu.dma_semaphore, #tpu.memory_space<semaphore_mem>> -> memref<!tpu.dma_semaphore, #tpu.memory_space<semaphore_mem>>
    %dma_start3A_127 = arith.constant 1536 : i32
    %dma_start3A_128 = arith.constant 0 : i32
    %dma_start3A_129 = tpu.memref_slice %arg3[%arg0, %dma_start3A_127, %dma_start3A_128] : memref<16x2048x2048xf32, #tpu.memory_space<any>> -> memref<1x128x2048xf32, #tpu.memory_space<any>>
    %dma_start3A_130 = tpu.memref_squeeze %dma_start3A_129 : memref<1x128x2048xf32, #tpu.memory_space<any>> -> memref<128x2048xf32, #tpu.memory_space<any>>
    %dma_start3A_131 = arith.constant 0 : i32
    %dma_start3A_132 = arith.constant 512 : i32
    %dma_start3A_133 = tpu.memref_slice %arg5[%rem3A_0, %dma_start3A_131, %dma_start3A_132] : memref<3x128x4096xf32, #tpu.memory_space<vmem>> -> memref<1x128x2048xf32, #tpu.memory_space<vmem>>
    %dma_start3A_134 = tpu.memref_squeeze %dma_start3A_133 : memref<1x128x2048xf32, #tpu.memory_space<vmem>> -> memref<128x2048xf32, #tpu.memory_space<vmem>>
    tpu.enqueue_dma source(%dma_start3A_134 : memref<128x2048xf32, #tpu.memory_space<vmem>>) target(%dma_start3A_130 : memref<128x2048xf32, #tpu.memory_space<any>>) target_semaphore(%dma_start3A_126 : memref<!tpu.dma_semaphore, #tpu.memory_space<semaphore_mem>>)
    %dma_start3A_135 = tpu.memref_slice %arg6[%rem3A_0] : memref<3x!tpu.dma_semaphore, #tpu.memory_space<semaphore_mem>> -> memref<1x!tpu.dma_semaphore, #tpu.memory_space<semaphore_mem>>
    %dma_start3A_136 = tpu.memref_squeeze %dma_start3A_135 : memref<1x!tpu.dma_semaphore, #tpu.memory_space<semaphore_mem>> -> memref<!tpu.dma_semaphore, #tpu.memory_space<semaphore_mem>>
    %dma_start3A_137 = arith.constant 1664 : i32
    %dma_start3A_138 = arith.constant 0 : i32
    %dma_start3A_139 = tpu.memref_slice %arg3[%arg0, %dma_start3A_137, %dma_start3A_138] : memref<16x2048x2048xf32, #tpu.memory_space<any>> -> memref<1x128x2048xf32, #tpu.memory_space<any>>
    %dma_start3A_140 = tpu.memref_squeeze %dma_start3A_139 : memref<1x128x2048xf32, #tpu.memory_space<any>> -> memref<128x2048xf32, #tpu.memory_space<any>>
    %dma_start3A_141 = arith.constant 0 : i32
    %dma_start3A_142 = arith.constant 384 : i32
    %dma_start3A_143 = tpu.memref_slice %arg5[%rem3A_0, %dma_start3A_141, %dma_start3A_142] : memref<3x128x4096xf32, #tpu.memory_space<vmem>> -> memref<1x128x2048xf32, #tpu.memory_space<vmem>>
    %dma_start3A_144 = tpu.memref_squeeze %dma_start3A_143 : memref<1x128x2048xf32, #tpu.memory_space<vmem>> -> memref<128x2048xf32, #tpu.memory_space<vmem>>
    tpu.enqueue_dma source(%dma_start3A_144 : memref<128x2048xf32, #tpu.memory_space<vmem>>) target(%dma_start3A_140 : memref<128x2048xf32, #tpu.memory_space<any>>) target_semaphore(%dma_start3A_136 : memref<!tpu.dma_semaphore, #tpu.memory_space<semaphore_mem>>)
    %dma_start3A_145 = tpu.memref_slice %arg6[%rem3A_0] : memref<3x!tpu.dma_semaphore, #tpu.memory_space<semaphore_mem>> -> memref<1x!tpu.dma_semaphore, #tpu.memory_space<semaphore_mem>>
    %dma_start3A_146 = tpu.memref_squeeze %dma_start3A_145 : memref<1x!tpu.dma_semaphore, #tpu.memory_space<semaphore_mem>> -> memref<!tpu.dma_semaphore, #tpu.memory_space<semaphore_mem>>
    %dma_start3A_147 = arith.constant 1792 : i32
    %dma_start3A_148 = arith.constant 0 : i32
    %dma_start3A_149 = tpu.memref_slice %arg3[%arg0, %dma_start3A_147, %dma_start3A_148] : memref<16x2048x2048xf32, #tpu.memory_space<any>> -> memref<1x128x2048xf32, #tpu.memory_space<any>>
    %dma_start3A_150 = tpu.memref_squeeze %dma_start3A_149 : memref<1x128x2048xf32, #tpu.memory_space<any>> -> memref<128x2048xf32, #tpu.memory_space<any>>
    %dma_start3A_151 = arith.constant 0 : i32
    %dma_start3A_152 = arith.constant 256 : i32
    %dma_start3A_153 = tpu.memref_slice %arg5[%rem3A_0, %dma_start3A_151, %dma_start3A_152] : memref<3x128x4096xf32, #tpu.memory_space<vmem>> -> memref<1x128x2048xf32, #tpu.memory_space<vmem>>
    %dma_start3A_154 = tpu.memref_squeeze %dma_start3A_153 : memref<1x128x2048xf32, #tpu.memory_space<vmem>> -> memref<128x2048xf32, #tpu.memory_space<vmem>>
    tpu.enqueue_dma source(%dma_start3A_154 : memref<128x2048xf32, #tpu.memory_space<vmem>>) target(%dma_start3A_150 : memref<128x2048xf32, #tpu.memory_space<any>>) target_semaphore(%dma_start3A_146 : memref<!tpu.dma_semaphore, #tpu.memory_space<semaphore_mem>>)
    %dma_start3A_155 = tpu.memref_slice %arg6[%rem3A_0] : memref<3x!tpu.dma_semaphore, #tpu.memory_space<semaphore_mem>> -> memref<1x!tpu.dma_semaphore, #tpu.memory_space<semaphore_mem>>
    %dma_start3A_156 = tpu.memref_squeeze %dma_start3A_155 : memref<1x!tpu.dma_semaphore, #tpu.memory_space<semaphore_mem>> -> memref<!tpu.dma_semaphore, #tpu.memory_space<semaphore_mem>>
    %dma_start3A_157 = arith.constant 1920 : i32
    %dma_start3A_158 = arith.constant 0 : i32
    %dma_start3A_159 = tpu.memref_slice %arg3[%arg0, %dma_start3A_157, %dma_start3A_158] : memref<16x2048x2048xf32, #tpu.memory_space<any>> -> memref<1x128x2048xf32, #tpu.memory_space<any>>
    %dma_start3A_160 = tpu.memref_squeeze %dma_start3A_159 : memref<1x128x2048xf32, #tpu.memory_space<any>> -> memref<128x2048xf32, #tpu.memory_space<any>>
    %dma_start3A_161 = arith.constant 0 : i32
    %dma_start3A_162 = arith.constant 128 : i32
    %dma_start3A_163 = tpu.memref_slice %arg5[%rem3A_0, %dma_start3A_161, %dma_start3A_162] : memref<3x128x4096xf32, #tpu.memory_space<vmem>> -> memref<1x128x2048xf32, #tpu.memory_space<vmem>>
    %dma_start3A_164 = tpu.memref_squeeze %dma_start3A_163 : memref<1x128x2048xf32, #tpu.memory_space<vmem>> -> memref<128x2048xf32, #tpu.memory_space<vmem>>
    tpu.enqueue_dma source(%dma_start3A_164 : memref<128x2048xf32, #tpu.memory_space<vmem>>) target(%dma_start3A_160 : memref<128x2048xf32, #tpu.memory_space<any>>) target_semaphore(%dma_start3A_156 : memref<!tpu.dma_semaphore, #tpu.memory_space<semaphore_mem>>)
    %ge3A = arith.constant 2 : i32
    %ge3A_165 = arith.cmpi sge, %arg0, %ge3A : i32
    %convert_element_type3A_166 = arith.extui %ge3A_165 : i1 to i32
    %cond3A_167 = arith.constant 0 : i32
    %cond3A_168 = arith.cmpi ne, %convert_element_type3A_166, %cond3A_167 : i32
    scf.if %cond3A_168 {
      %sub3A = arith.constant 2 : i32
      %sub3A_178 = arith.subi %arg0, %sub3A : i32
      %dma_wait3A = tpu.memref_slice %arg6[%rem3A_3] : memref<3x!tpu.dma_semaphore, #tpu.memory_space<semaphore_mem>> -> memref<1x!tpu.dma_semaphore, #tpu.memory_space<semaphore_mem>>
      %dma_wait3A_179 = tpu.memref_squeeze %dma_wait3A : memref<1x!tpu.dma_semaphore, #tpu.memory_space<semaphore_mem>> -> memref<!tpu.dma_semaphore, #tpu.memory_space<semaphore_mem>>
      %dma_wait3A_180 = arith.constant 0 : i32
      %dma_wait3A_181 = arith.constant 0 : i32
      %dma_wait3A_182 = tpu.memref_slice %arg3[%sub3A_178, %dma_wait3A_180, %dma_wait3A_181] : memref<16x2048x2048xf32, #tpu.memory_space<any>> -> memref<1x128x2048xf32, #tpu.memory_space<any>>
      %dma_wait3A_183 = tpu.memref_squeeze %dma_wait3A_182 : memref<1x128x2048xf32, #tpu.memory_space<any>> -> memref<128x2048xf32, #tpu.memory_space<any>>
      %dma_wait3A_184 = arith.constant 0 : i32
      %dma_wait3A_185 = arith.constant 2048 : i32
      %dma_wait3A_186 = tpu.memref_slice %arg5[%rem3A_3, %dma_wait3A_184, %dma_wait3A_185] : memref<3x128x4096xf32, #tpu.memory_space<vmem>> -> memref<1x128x2048xf32, #tpu.memory_space<vmem>>
      %dma_wait3A_187 = tpu.memref_squeeze %dma_wait3A_186 : memref<1x128x2048xf32, #tpu.memory_space<vmem>> -> memref<128x2048xf32, #tpu.memory_space<vmem>>
      tpu.wait_dma2 semaphore(%dma_wait3A_179 : memref<!tpu.dma_semaphore, #tpu.memory_space<semaphore_mem>>) src(%dma_wait3A_187 : memref<128x2048xf32, #tpu.memory_space<vmem>>) dst(%dma_wait3A_183 : memref<128x2048xf32, #tpu.memory_space<any>>)
      %sub3A_188 = arith.constant 2 : i32
      %sub3A_189 = arith.subi %arg0, %sub3A_188 : i32
      %dma_wait3A_190 = tpu.memref_slice %arg6[%rem3A_3] : memref<3x!tpu.dma_semaphore, #tpu.memory_space<semaphore_mem>> -> memref<1x!tpu.dma_semaphore, #tpu.memory_space<semaphore_mem>>
      %dma_wait3A_191 = tpu.memref_squeeze %dma_wait3A_190 : memref<1x!tpu.dma_semaphore, #tpu.memory_space<semaphore_mem>> -> memref<!tpu.dma_semaphore, #tpu.memory_space<semaphore_mem>>
      %dma_wait3A_192 = arith.constant 128 : i32
      %dma_wait3A_193 = arith.constant 0 : i32
      %dma_wait3A_194 = tpu.memref_slice %arg3[%sub3A_189, %dma_wait3A_192, %dma_wait3A_193] : memref<16x2048x2048xf32, #tpu.memory_space<any>> -> memref<1x128x2048xf32, #tpu.memory_space<any>>
      %dma_wait3A_195 = tpu.memref_squeeze %dma_wait3A_194 : memref<1x128x2048xf32, #tpu.memory_space<any>> -> memref<128x2048xf32, #tpu.memory_space<any>>
      %dma_wait3A_196 = arith.constant 0 : i32
      %dma_wait3A_197 = arith.constant 1920 : i32
      %dma_wait3A_198 = tpu.memref_slice %arg5[%rem3A_3, %dma_wait3A_196, %dma_wait3A_197] : memref<3x128x4096xf32, #tpu.memory_space<vmem>> -> memref<1x128x2048xf32, #tpu.memory_space<vmem>>
      %dma_wait3A_199 = tpu.memref_squeeze %dma_wait3A_198 : memref<1x128x2048xf32, #tpu.memory_space<vmem>> -> memref<128x2048xf32, #tpu.memory_space<vmem>>
      tpu.wait_dma2 semaphore(%dma_wait3A_191 : memref<!tpu.dma_semaphore, #tpu.memory_space<semaphore_mem>>) src(%dma_wait3A_199 : memref<128x2048xf32, #tpu.memory_space<vmem>>) dst(%dma_wait3A_195 : memref<128x2048xf32, #tpu.memory_space<any>>)
      %sub3A_200 = arith.constant 2 : i32
      %sub3A_201 = arith.subi %arg0, %sub3A_200 : i32
      %dma_wait3A_202 = tpu.memref_slice %arg6[%rem3A_3] : memref<3x!tpu.dma_semaphore, #tpu.memory_space<semaphore_mem>> -> memref<1x!tpu.dma_semaphore, #tpu.memory_space<semaphore_mem>>
      %dma_wait3A_203 = tpu.memref_squeeze %dma_wait3A_202 : memref<1x!tpu.dma_semaphore, #tpu.memory_space<semaphore_mem>> -> memref<!tpu.dma_semaphore, #tpu.memory_space<semaphore_mem>>
      %dma_wait3A_204 = arith.constant 256 : i32
      %dma_wait3A_205 = arith.constant 0 : i32
      %dma_wait3A_206 = tpu.memref_slice %arg3[%sub3A_201, %dma_wait3A_204, %dma_wait3A_205] : memref<16x2048x2048xf32, #tpu.memory_space<any>> -> memref<1x128x2048xf32, #tpu.memory_space<any>>
      %dma_wait3A_207 = tpu.memref_squeeze %dma_wait3A_206 : memref<1x128x2048xf32, #tpu.memory_space<any>> -> memref<128x2048xf32, #tpu.memory_space<any>>
      %dma_wait3A_208 = arith.constant 0 : i32
      %dma_wait3A_209 = arith.constant 1792 : i32
      %dma_wait3A_210 = tpu.memref_slice %arg5[%rem3A_3, %dma_wait3A_208, %dma_wait3A_209] : memref<3x128x4096xf32, #tpu.memory_space<vmem>> -> memref<1x128x2048xf32, #tpu.memory_space<vmem>>
      %dma_wait3A_211 = tpu.memref_squeeze %dma_wait3A_210 : memref<1x128x2048xf32, #tpu.memory_space<vmem>> -> memref<128x2048xf32, #tpu.memory_space<vmem>>
      tpu.wait_dma2 semaphore(%dma_wait3A_203 : memref<!tpu.dma_semaphore, #tpu.memory_space<semaphore_mem>>) src(%dma_wait3A_211 : memref<128x2048xf32, #tpu.memory_space<vmem>>) dst(%dma_wait3A_207 : memref<128x2048xf32, #tpu.memory_space<any>>)
      %sub3A_212 = arith.constant 2 : i32
      %sub3A_213 = arith.subi %arg0, %sub3A_212 : i32
      %dma_wait3A_214 = tpu.memref_slice %arg6[%rem3A_3] : memref<3x!tpu.dma_semaphore, #tpu.memory_space<semaphore_mem>> -> memref<1x!tpu.dma_semaphore, #tpu.memory_space<semaphore_mem>>
      %dma_wait3A_215 = tpu.memref_squeeze %dma_wait3A_214 : memref<1x!tpu.dma_semaphore, #tpu.memory_space<semaphore_mem>> -> memref<!tpu.dma_semaphore, #tpu.memory_space<semaphore_mem>>
      %dma_wait3A_216 = arith.constant 384 : i32
      %dma_wait3A_217 = arith.constant 0 : i32
      %dma_wait3A_218 = tpu.memref_slice %arg3[%sub3A_213, %dma_wait3A_216, %dma_wait3A_217] : memref<16x2048x2048xf32, #tpu.memory_space<any>> -> memref<1x128x2048xf32, #tpu.memory_space<any>>
      %dma_wait3A_219 = tpu.memref_squeeze %dma_wait3A_218 : memref<1x128x2048xf32, #tpu.memory_space<any>> -> memref<128x2048xf32, #tpu.memory_space<any>>
      %dma_wait3A_220 = arith.constant 0 : i32
      %dma_wait3A_221 = arith.constant 1664 : i32
      %dma_wait3A_222 = tpu.memref_slice %arg5[%rem3A_3, %dma_wait3A_220, %dma_wait3A_221] : memref<3x128x4096xf32, #tpu.memory_space<vmem>> -> memref<1x128x2048xf32, #tpu.memory_space<vmem>>
      %dma_wait3A_223 = tpu.memref_squeeze %dma_wait3A_222 : memref<1x128x2048xf32, #tpu.memory_space<vmem>> -> memref<128x2048xf32, #tpu.memory_space<vmem>>
      tpu.wait_dma2 semaphore(%dma_wait3A_215 : memref<!tpu.dma_semaphore, #tpu.memory_space<semaphore_mem>>) src(%dma_wait3A_223 : memref<128x2048xf32, #tpu.memory_space<vmem>>) dst(%dma_wait3A_219 : memref<128x2048xf32, #tpu.memory_space<any>>)
      %sub3A_224 = arith.constant 2 : i32
      %sub3A_225 = arith.subi %arg0, %sub3A_224 : i32
      %dma_wait3A_226 = tpu.memref_slice %arg6[%rem3A_3] : memref<3x!tpu.dma_semaphore, #tpu.memory_space<semaphore_mem>> -> memref<1x!tpu.dma_semaphore, #tpu.memory_space<semaphore_mem>>
      %dma_wait3A_227 = tpu.memref_squeeze %dma_wait3A_226 : memref<1x!tpu.dma_semaphore, #tpu.memory_space<semaphore_mem>> -> memref<!tpu.dma_semaphore, #tpu.memory_space<semaphore_mem>>
      %dma_wait3A_228 = arith.constant 512 : i32
      %dma_wait3A_229 = arith.constant 0 : i32
      %dma_wait3A_230 = tpu.memref_slice %arg3[%sub3A_225, %dma_wait3A_228, %dma_wait3A_229] : memref<16x2048x2048xf32, #tpu.memory_space<any>> -> memref<1x128x2048xf32, #tpu.memory_space<any>>
      %dma_wait3A_231 = tpu.memref_squeeze %dma_wait3A_230 : memref<1x128x2048xf32, #tpu.memory_space<any>> -> memref<128x2048xf32, #tpu.memory_space<any>>
      %dma_wait3A_232 = arith.constant 0 : i32
      %dma_wait3A_233 = arith.constant 1536 : i32
      %dma_wait3A_234 = tpu.memref_slice %arg5[%rem3A_3, %dma_wait3A_232, %dma_wait3A_233] : memref<3x128x4096xf32, #tpu.memory_space<vmem>> -> memref<1x128x2048xf32, #tpu.memory_space<vmem>>
      %dma_wait3A_235 = tpu.memref_squeeze %dma_wait3A_234 : memref<1x128x2048xf32, #tpu.memory_space<vmem>> -> memref<128x2048xf32, #tpu.memory_space<vmem>>
      tpu.wait_dma2 semaphore(%dma_wait3A_227 : memref<!tpu.dma_semaphore, #tpu.memory_space<semaphore_mem>>) src(%dma_wait3A_235 : memref<128x2048xf32, #tpu.memory_space<vmem>>) dst(%dma_wait3A_231 : memref<128x2048xf32, #tpu.memory_space<any>>)
      %sub3A_236 = arith.constant 2 : i32
      %sub3A_237 = arith.subi %arg0, %sub3A_236 : i32
      %dma_wait3A_238 = tpu.memref_slice %arg6[%rem3A_3] : memref<3x!tpu.dma_semaphore, #tpu.memory_space<semaphore_mem>> -> memref<1x!tpu.dma_semaphore, #tpu.memory_space<semaphore_mem>>
      %dma_wait3A_239 = tpu.memref_squeeze %dma_wait3A_238 : memref<1x!tpu.dma_semaphore, #tpu.memory_space<semaphore_mem>> -> memref<!tpu.dma_semaphore, #tpu.memory_space<semaphore_mem>>
      %dma_wait3A_240 = arith.constant 640 : i32
      %dma_wait3A_241 = arith.constant 0 : i32
      %dma_wait3A_242 = tpu.memref_slice %arg3[%sub3A_237, %dma_wait3A_240, %dma_wait3A_241] : memref<16x2048x2048xf32, #tpu.memory_space<any>> -> memref<1x128x2048xf32, #tpu.memory_space<any>>
      %dma_wait3A_243 = tpu.memref_squeeze %dma_wait3A_242 : memref<1x128x2048xf32, #tpu.memory_space<any>> -> memref<128x2048xf32, #tpu.memory_space<any>>
      %dma_wait3A_244 = arith.constant 0 : i32
      %dma_wait3A_245 = arith.constant 1408 : i32
      %dma_wait3A_246 = tpu.memref_slice %arg5[%rem3A_3, %dma_wait3A_244, %dma_wait3A_245] : memref<3x128x4096xf32, #tpu.memory_space<vmem>> -> memref<1x128x2048xf32, #tpu.memory_space<vmem>>
      %dma_wait3A_247 = tpu.memref_squeeze %dma_wait3A_246 : memref<1x128x2048xf32, #tpu.memory_space<vmem>> -> memref<128x2048xf32, #tpu.memory_space<vmem>>
      tpu.wait_dma2 semaphore(%dma_wait3A_239 : memref<!tpu.dma_semaphore, #tpu.memory_space<semaphore_mem>>) src(%dma_wait3A_247 : memref<128x2048xf32, #tpu.memory_space<vmem>>) dst(%dma_wait3A_243 : memref<128x2048xf32, #tpu.memory_space<any>>)
      %sub3A_248 = arith.constant 2 : i32
      %sub3A_249 = arith.subi %arg0, %sub3A_248 : i32
      %dma_wait3A_250 = tpu.memref_slice %arg6[%rem3A_3] : memref<3x!tpu.dma_semaphore, #tpu.memory_space<semaphore_mem>> -> memref<1x!tpu.dma_semaphore, #tpu.memory_space<semaphore_mem>>
      %dma_wait3A_251 = tpu.memref_squeeze %dma_wait3A_250 : memref<1x!tpu.dma_semaphore, #tpu.memory_space<semaphore_mem>> -> memref<!tpu.dma_semaphore, #tpu.memory_space<semaphore_mem>>
      %dma_wait3A_252 = arith.constant 768 : i32
      %dma_wait3A_253 = arith.constant 0 : i32
      %dma_wait3A_254 = tpu.memref_slice %arg3[%sub3A_249, %dma_wait3A_252, %dma_wait3A_253] : memref<16x2048x2048xf32, #tpu.memory_space<any>> -> memref<1x128x2048xf32, #tpu.memory_space<any>>
      %dma_wait3A_255 = tpu.memref_squeeze %dma_wait3A_254 : memref<1x128x2048xf32, #tpu.memory_space<any>> -> memref<128x2048xf32, #tpu.memory_space<any>>
      %dma_wait3A_256 = arith.constant 0 : i32
      %dma_wait3A_257 = arith.constant 1280 : i32
      %dma_wait3A_258 = tpu.memref_slice %arg5[%rem3A_3, %dma_wait3A_256, %dma_wait3A_257] : memref<3x128x4096xf32, #tpu.memory_space<vmem>> -> memref<1x128x2048xf32, #tpu.memory_space<vmem>>
      %dma_wait3A_259 = tpu.memref_squeeze %dma_wait3A_258 : memref<1x128x2048xf32, #tpu.memory_space<vmem>> -> memref<128x2048xf32, #tpu.memory_space<vmem>>
      tpu.wait_dma2 semaphore(%dma_wait3A_251 : memref<!tpu.dma_semaphore, #tpu.memory_space<semaphore_mem>>) src(%dma_wait3A_259 : memref<128x2048xf32, #tpu.memory_space<vmem>>) dst(%dma_wait3A_255 : memref<128x2048xf32, #tpu.memory_space<any>>)
      %sub3A_260 = arith.constant 2 : i32
      %sub3A_261 = arith.subi %arg0, %sub3A_260 : i32
      %dma_wait3A_262 = tpu.memref_slice %arg6[%rem3A_3] : memref<3x!tpu.dma_semaphore, #tpu.memory_space<semaphore_mem>> -> memref<1x!tpu.dma_semaphore, #tpu.memory_space<semaphore_mem>>
      %dma_wait3A_263 = tpu.memref_squeeze %dma_wait3A_262 : memref<1x!tpu.dma_semaphore, #tpu.memory_space<semaphore_mem>> -> memref<!tpu.dma_semaphore, #tpu.memory_space<semaphore_mem>>
      %dma_wait3A_264 = arith.constant 896 : i32
      %dma_wait3A_265 = arith.constant 0 : i32
      %dma_wait3A_266 = tpu.memref_slice %arg3[%sub3A_261, %dma_wait3A_264, %dma_wait3A_265] : memref<16x2048x2048xf32, #tpu.memory_space<any>> -> memref<1x128x2048xf32, #tpu.memory_space<any>>
      %dma_wait3A_267 = tpu.memref_squeeze %dma_wait3A_266 : memref<1x128x2048xf32, #tpu.memory_space<any>> -> memref<128x2048xf32, #tpu.memory_space<any>>
      %dma_wait3A_268 = arith.constant 0 : i32
      %dma_wait3A_269 = arith.constant 1152 : i32
      %dma_wait3A_270 = tpu.memref_slice %arg5[%rem3A_3, %dma_wait3A_268, %dma_wait3A_269] : memref<3x128x4096xf32, #tpu.memory_space<vmem>> -> memref<1x128x2048xf32, #tpu.memory_space<vmem>>
      %dma_wait3A_271 = tpu.memref_squeeze %dma_wait3A_270 : memref<1x128x2048xf32, #tpu.memory_space<vmem>> -> memref<128x2048xf32, #tpu.memory_space<vmem>>
      tpu.wait_dma2 semaphore(%dma_wait3A_263 : memref<!tpu.dma_semaphore, #tpu.memory_space<semaphore_mem>>) src(%dma_wait3A_271 : memref<128x2048xf32, #tpu.memory_space<vmem>>) dst(%dma_wait3A_267 : memref<128x2048xf32, #tpu.memory_space<any>>)
      %sub3A_272 = arith.constant 2 : i32
      %sub3A_273 = arith.subi %arg0, %sub3A_272 : i32
      %dma_wait3A_274 = tpu.memref_slice %arg6[%rem3A_3] : memref<3x!tpu.dma_semaphore, #tpu.memory_space<semaphore_mem>> -> memref<1x!tpu.dma_semaphore, #tpu.memory_space<semaphore_mem>>
      %dma_wait3A_275 = tpu.memref_squeeze %dma_wait3A_274 : memref<1x!tpu.dma_semaphore, #tpu.memory_space<semaphore_mem>> -> memref<!tpu.dma_semaphore, #tpu.memory_space<semaphore_mem>>
      %dma_wait3A_276 = arith.constant 1024 : i32
      %dma_wait3A_277 = arith.constant 0 : i32
      %dma_wait3A_278 = tpu.memref_slice %arg3[%sub3A_273, %dma_wait3A_276, %dma_wait3A_277] : memref<16x2048x2048xf32, #tpu.memory_space<any>> -> memref<1x128x2048xf32, #tpu.memory_space<any>>
      %dma_wait3A_279 = tpu.memref_squeeze %dma_wait3A_278 : memref<1x128x2048xf32, #tpu.memory_space<any>> -> memref<128x2048xf32, #tpu.memory_space<any>>
      %dma_wait3A_280 = arith.constant 0 : i32
      %dma_wait3A_281 = arith.constant 1024 : i32
      %dma_wait3A_282 = tpu.memref_slice %arg5[%rem3A_3, %dma_wait3A_280, %dma_wait3A_281] : memref<3x128x4096xf32, #tpu.memory_space<vmem>> -> memref<1x128x2048xf32, #tpu.memory_space<vmem>>
      %dma_wait3A_283 = tpu.memref_squeeze %dma_wait3A_282 : memref<1x128x2048xf32, #tpu.memory_space<vmem>> -> memref<128x2048xf32, #tpu.memory_space<vmem>>
      tpu.wait_dma2 semaphore(%dma_wait3A_275 : memref<!tpu.dma_semaphore, #tpu.memory_space<semaphore_mem>>) src(%dma_wait3A_283 : memref<128x2048xf32, #tpu.memory_space<vmem>>) dst(%dma_wait3A_279 : memref<128x2048xf32, #tpu.memory_space<any>>)
      %sub3A_284 = arith.constant 2 : i32
      %sub3A_285 = arith.subi %arg0, %sub3A_284 : i32
      %dma_wait3A_286 = tpu.memref_slice %arg6[%rem3A_3] : memref<3x!tpu.dma_semaphore, #tpu.memory_space<semaphore_mem>> -> memref<1x!tpu.dma_semaphore, #tpu.memory_space<semaphore_mem>>
      %dma_wait3A_287 = tpu.memref_squeeze %dma_wait3A_286 : memref<1x!tpu.dma_semaphore, #tpu.memory_space<semaphore_mem>> -> memref<!tpu.dma_semaphore, #tpu.memory_space<semaphore_mem>>
      %dma_wait3A_288 = arith.constant 1152 : i32
      %dma_wait3A_289 = arith.constant 0 : i32
      %dma_wait3A_290 = tpu.memref_slice %arg3[%sub3A_285, %dma_wait3A_288, %dma_wait3A_289] : memref<16x2048x2048xf32, #tpu.memory_space<any>> -> memref<1x128x2048xf32, #tpu.memory_space<any>>
      %dma_wait3A_291 = tpu.memref_squeeze %dma_wait3A_290 : memref<1x128x2048xf32, #tpu.memory_space<any>> -> memref<128x2048xf32, #tpu.memory_space<any>>
      %dma_wait3A_292 = arith.constant 0 : i32
      %dma_wait3A_293 = arith.constant 896 : i32
      %dma_wait3A_294 = tpu.memref_slice %arg5[%rem3A_3, %dma_wait3A_292, %dma_wait3A_293] : memref<3x128x4096xf32, #tpu.memory_space<vmem>> -> memref<1x128x2048xf32, #tpu.memory_space<vmem>>
      %dma_wait3A_295 = tpu.memref_squeeze %dma_wait3A_294 : memref<1x128x2048xf32, #tpu.memory_space<vmem>> -> memref<128x2048xf32, #tpu.memory_space<vmem>>
      tpu.wait_dma2 semaphore(%dma_wait3A_287 : memref<!tpu.dma_semaphore, #tpu.memory_space<semaphore_mem>>) src(%dma_wait3A_295 : memref<128x2048xf32, #tpu.memory_space<vmem>>) dst(%dma_wait3A_291 : memref<128x2048xf32, #tpu.memory_space<any>>)
      %sub3A_296 = arith.constant 2 : i32
      %sub3A_297 = arith.subi %arg0, %sub3A_296 : i32
      %dma_wait3A_298 = tpu.memref_slice %arg6[%rem3A_3] : memref<3x!tpu.dma_semaphore, #tpu.memory_space<semaphore_mem>> -> memref<1x!tpu.dma_semaphore, #tpu.memory_space<semaphore_mem>>
      %dma_wait3A_299 = tpu.memref_squeeze %dma_wait3A_298 : memref<1x!tpu.dma_semaphore, #tpu.memory_space<semaphore_mem>> -> memref<!tpu.dma_semaphore, #tpu.memory_space<semaphore_mem>>
      %dma_wait3A_300 = arith.constant 1280 : i32
      %dma_wait3A_301 = arith.constant 0 : i32
      %dma_wait3A_302 = tpu.memref_slice %arg3[%sub3A_297, %dma_wait3A_300, %dma_wait3A_301] : memref<16x2048x2048xf32, #tpu.memory_space<any>> -> memref<1x128x2048xf32, #tpu.memory_space<any>>
      %dma_wait3A_303 = tpu.memref_squeeze %dma_wait3A_302 : memref<1x128x2048xf32, #tpu.memory_space<any>> -> memref<128x2048xf32, #tpu.memory_space<any>>
      %dma_wait3A_304 = arith.constant 0 : i32
      %dma_wait3A_305 = arith.constant 768 : i32
      %dma_wait3A_306 = tpu.memref_slice %arg5[%rem3A_3, %dma_wait3A_304, %dma_wait3A_305] : memref<3x128x4096xf32, #tpu.memory_space<vmem>> -> memref<1x128x2048xf32, #tpu.memory_space<vmem>>
      %dma_wait3A_307 = tpu.memref_squeeze %dma_wait3A_306 : memref<1x128x2048xf32, #tpu.memory_space<vmem>> -> memref<128x2048xf32, #tpu.memory_space<vmem>>
      tpu.wait_dma2 semaphore(%dma_wait3A_299 : memref<!tpu.dma_semaphore, #tpu.memory_space<semaphore_mem>>) src(%dma_wait3A_307 : memref<128x2048xf32, #tpu.memory_space<vmem>>) dst(%dma_wait3A_303 : memref<128x2048xf32, #tpu.memory_space<any>>)
      %sub3A_308 = arith.constant 2 : i32
      %sub3A_309 = arith.subi %arg0, %sub3A_308 : i32
      %dma_wait3A_310 = tpu.memref_slice %arg6[%rem3A_3] : memref<3x!tpu.dma_semaphore, #tpu.memory_space<semaphore_mem>> -> memref<1x!tpu.dma_semaphore, #tpu.memory_space<semaphore_mem>>
      %dma_wait3A_311 = tpu.memref_squeeze %dma_wait3A_310 : memref<1x!tpu.dma_semaphore, #tpu.memory_space<semaphore_mem>> -> memref<!tpu.dma_semaphore, #tpu.memory_space<semaphore_mem>>
      %dma_wait3A_312 = arith.constant 1408 : i32
      %dma_wait3A_313 = arith.constant 0 : i32
      %dma_wait3A_314 = tpu.memref_slice %arg3[%sub3A_309, %dma_wait3A_312, %dma_wait3A_313] : memref<16x2048x2048xf32, #tpu.memory_space<any>> -> memref<1x128x2048xf32, #tpu.memory_space<any>>
      %dma_wait3A_315 = tpu.memref_squeeze %dma_wait3A_314 : memref<1x128x2048xf32, #tpu.memory_space<any>> -> memref<128x2048xf32, #tpu.memory_space<any>>
      %dma_wait3A_316 = arith.constant 0 : i32
      %dma_wait3A_317 = arith.constant 640 : i32
      %dma_wait3A_318 = tpu.memref_slice %arg5[%rem3A_3, %dma_wait3A_316, %dma_wait3A_317] : memref<3x128x4096xf32, #tpu.memory_space<vmem>> -> memref<1x128x2048xf32, #tpu.memory_space<vmem>>
      %dma_wait3A_319 = tpu.memref_squeeze %dma_wait3A_318 : memref<1x128x2048xf32, #tpu.memory_space<vmem>> -> memref<128x2048xf32, #tpu.memory_space<vmem>>
      tpu.wait_dma2 semaphore(%dma_wait3A_311 : memref<!tpu.dma_semaphore, #tpu.memory_space<semaphore_mem>>) src(%dma_wait3A_319 : memref<128x2048xf32, #tpu.memory_space<vmem>>) dst(%dma_wait3A_315 : memref<128x2048xf32, #tpu.memory_space<any>>)
      %sub3A_320 = arith.constant 2 : i32
      %sub3A_321 = arith.subi %arg0, %sub3A_320 : i32
      %dma_wait3A_322 = tpu.memref_slice %arg6[%rem3A_3] : memref<3x!tpu.dma_semaphore, #tpu.memory_space<semaphore_mem>> -> memref<1x!tpu.dma_semaphore, #tpu.memory_space<semaphore_mem>>
      %dma_wait3A_323 = tpu.memref_squeeze %dma_wait3A_322 : memref<1x!tpu.dma_semaphore, #tpu.memory_space<semaphore_mem>> -> memref<!tpu.dma_semaphore, #tpu.memory_space<semaphore_mem>>
      %dma_wait3A_324 = arith.constant 1536 : i32
      %dma_wait3A_325 = arith.constant 0 : i32
      %dma_wait3A_326 = tpu.memref_slice %arg3[%sub3A_321, %dma_wait3A_324, %dma_wait3A_325] : memref<16x2048x2048xf32, #tpu.memory_space<any>> -> memref<1x128x2048xf32, #tpu.memory_space<any>>
      %dma_wait3A_327 = tpu.memref_squeeze %dma_wait3A_326 : memref<1x128x2048xf32, #tpu.memory_space<any>> -> memref<128x2048xf32, #tpu.memory_space<any>>
      %dma_wait3A_328 = arith.constant 0 : i32
      %dma_wait3A_329 = arith.constant 512 : i32
      %dma_wait3A_330 = tpu.memref_slice %arg5[%rem3A_3, %dma_wait3A_328, %dma_wait3A_329] : memref<3x128x4096xf32, #tpu.memory_space<vmem>> -> memref<1x128x2048xf32, #tpu.memory_space<vmem>>
      %dma_wait3A_331 = tpu.memref_squeeze %dma_wait3A_330 : memref<1x128x2048xf32, #tpu.memory_space<vmem>> -> memref<128x2048xf32, #tpu.memory_space<vmem>>
      tpu.wait_dma2 semaphore(%dma_wait3A_323 : memref<!tpu.dma_semaphore, #tpu.memory_space<semaphore_mem>>) src(%dma_wait3A_331 : memref<128x2048xf32, #tpu.memory_space<vmem>>) dst(%dma_wait3A_327 : memref<128x2048xf32, #tpu.memory_space<any>>)
      %sub3A_332 = arith.constant 2 : i32
      %sub3A_333 = arith.subi %arg0, %sub3A_332 : i32
      %dma_wait3A_334 = tpu.memref_slice %arg6[%rem3A_3] : memref<3x!tpu.dma_semaphore, #tpu.memory_space<semaphore_mem>> -> memref<1x!tpu.dma_semaphore, #tpu.memory_space<semaphore_mem>>
      %dma_wait3A_335 = tpu.memref_squeeze %dma_wait3A_334 : memref<1x!tpu.dma_semaphore, #tpu.memory_space<semaphore_mem>> -> memref<!tpu.dma_semaphore, #tpu.memory_space<semaphore_mem>>
      %dma_wait3A_336 = arith.constant 1664 : i32
      %dma_wait3A_337 = arith.constant 0 : i32
      %dma_wait3A_338 = tpu.memref_slice %arg3[%sub3A_333, %dma_wait3A_336, %dma_wait3A_337] : memref<16x2048x2048xf32, #tpu.memory_space<any>> -> memref<1x128x2048xf32, #tpu.memory_space<any>>
      %dma_wait3A_339 = tpu.memref_squeeze %dma_wait3A_338 : memref<1x128x2048xf32, #tpu.memory_space<any>> -> memref<128x2048xf32, #tpu.memory_space<any>>
      %dma_wait3A_340 = arith.constant 0 : i32
      %dma_wait3A_341 = arith.constant 384 : i32
      %dma_wait3A_342 = tpu.memref_slice %arg5[%rem3A_3, %dma_wait3A_340, %dma_wait3A_341] : memref<3x128x4096xf32, #tpu.memory_space<vmem>> -> memref<1x128x2048xf32, #tpu.memory_space<vmem>>
      %dma_wait3A_343 = tpu.memref_squeeze %dma_wait3A_342 : memref<1x128x2048xf32, #tpu.memory_space<vmem>> -> memref<128x2048xf32, #tpu.memory_space<vmem>>
      tpu.wait_dma2 semaphore(%dma_wait3A_335 : memref<!tpu.dma_semaphore, #tpu.memory_space<semaphore_mem>>) src(%dma_wait3A_343 : memref<128x2048xf32, #tpu.memory_space<vmem>>) dst(%dma_wait3A_339 : memref<128x2048xf32, #tpu.memory_space<any>>)
      %sub3A_344 = arith.constant 2 : i32
      %sub3A_345 = arith.subi %arg0, %sub3A_344 : i32
      %dma_wait3A_346 = tpu.memref_slice %arg6[%rem3A_3] : memref<3x!tpu.dma_semaphore, #tpu.memory_space<semaphore_mem>> -> memref<1x!tpu.dma_semaphore, #tpu.memory_space<semaphore_mem>>
      %dma_wait3A_347 = tpu.memref_squeeze %dma_wait3A_346 : memref<1x!tpu.dma_semaphore, #tpu.memory_space<semaphore_mem>> -> memref<!tpu.dma_semaphore, #tpu.memory_space<semaphore_mem>>
      %dma_wait3A_348 = arith.constant 1792 : i32
      %dma_wait3A_349 = arith.constant 0 : i32
      %dma_wait3A_350 = tpu.memref_slice %arg3[%sub3A_345, %dma_wait3A_348, %dma_wait3A_349] : memref<16x2048x2048xf32, #tpu.memory_space<any>> -> memref<1x128x2048xf32, #tpu.memory_space<any>>
      %dma_wait3A_351 = tpu.memref_squeeze %dma_wait3A_350 : memref<1x128x2048xf32, #tpu.memory_space<any>> -> memref<128x2048xf32, #tpu.memory_space<any>>
      %dma_wait3A_352 = arith.constant 0 : i32
      %dma_wait3A_353 = arith.constant 256 : i32
      %dma_wait3A_354 = tpu.memref_slice %arg5[%rem3A_3, %dma_wait3A_352, %dma_wait3A_353] : memref<3x128x4096xf32, #tpu.memory_space<vmem>> -> memref<1x128x2048xf32, #tpu.memory_space<vmem>>
      %dma_wait3A_355 = tpu.memref_squeeze %dma_wait3A_354 : memref<1x128x2048xf32, #tpu.memory_space<vmem>> -> memref<128x2048xf32, #tpu.memory_space<vmem>>
      tpu.wait_dma2 semaphore(%dma_wait3A_347 : memref<!tpu.dma_semaphore, #tpu.memory_space<semaphore_mem>>) src(%dma_wait3A_355 : memref<128x2048xf32, #tpu.memory_space<vmem>>) dst(%dma_wait3A_351 : memref<128x2048xf32, #tpu.memory_space<any>>)
      %sub3A_356 = arith.constant 2 : i32
      %sub3A_357 = arith.subi %arg0, %sub3A_356 : i32
      %dma_wait3A_358 = tpu.memref_slice %arg6[%rem3A_3] : memref<3x!tpu.dma_semaphore, #tpu.memory_space<semaphore_mem>> -> memref<1x!tpu.dma_semaphore, #tpu.memory_space<semaphore_mem>>
      %dma_wait3A_359 = tpu.memref_squeeze %dma_wait3A_358 : memref<1x!tpu.dma_semaphore, #tpu.memory_space<semaphore_mem>> -> memref<!tpu.dma_semaphore, #tpu.memory_space<semaphore_mem>>
      %dma_wait3A_360 = arith.constant 1920 : i32
      %dma_wait3A_361 = arith.constant 0 : i32
      %dma_wait3A_362 = tpu.memref_slice %arg3[%sub3A_357, %dma_wait3A_360, %dma_wait3A_361] : memref<16x2048x2048xf32, #tpu.memory_space<any>> -> memref<1x128x2048xf32, #tpu.memory_space<any>>
      %dma_wait3A_363 = tpu.memref_squeeze %dma_wait3A_362 : memref<1x128x2048xf32, #tpu.memory_space<any>> -> memref<128x2048xf32, #tpu.memory_space<any>>
      %dma_wait3A_364 = arith.constant 0 : i32
      %dma_wait3A_365 = arith.constant 128 : i32
      %dma_wait3A_366 = tpu.memref_slice %arg5[%rem3A_3, %dma_wait3A_364, %dma_wait3A_365] : memref<3x128x4096xf32, #tpu.memory_space<vmem>> -> memref<1x128x2048xf32, #tpu.memory_space<vmem>>
      %dma_wait3A_367 = tpu.memref_squeeze %dma_wait3A_366 : memref<1x128x2048xf32, #tpu.memory_space<vmem>> -> memref<128x2048xf32, #tpu.memory_space<vmem>>
      tpu.wait_dma2 semaphore(%dma_wait3A_359 : memref<!tpu.dma_semaphore, #tpu.memory_space<semaphore_mem>>) src(%dma_wait3A_367 : memref<128x2048xf32, #tpu.memory_space<vmem>>) dst(%dma_wait3A_363 : memref<128x2048xf32, #tpu.memory_space<any>>)
    } else {
    }
    %lt3A = arith.constant 15 : i32
    %lt3A_169 = arith.cmpi slt, %arg0, %lt3A : i32
    %convert_element_type3A_170 = arith.extui %lt3A_169 : i1 to i32
    %cond3A_171 = arith.constant 0 : i32
    %cond3A_172 = arith.cmpi ne, %convert_element_type3A_170, %cond3A_171 : i32
    scf.if %cond3A_172 {
      %get3A = arith.constant 0 : index
      %get3A_178 = arith.constant 0 : index
      %get3A_179 = arith.constant 8 : index
      %get3A_180 = vector.load %arg2[%get3A, %get3A_178, %get3A_179] : memref<1x1x4608xf32, #tpu.memory_space<vmem>>, vector<1x1x4352xf32>
      %get3A_181 = vector.shape_cast %get3A_180 : vector<1x1x4352xf32> to vector<1x4352xf32>
      %swap3A = arith.constant 0 : index
      %swap3A_182 = arith.constant 0 : index
      %swap3A_183 = vector.load %arg4[%swap3A, %swap3A_182] : memref<8x4352xf32, #tpu.memory_space<vmem>>, vector<1x4352xf32>
      tpu.vector_store %arg4[%swap3A, %swap3A_182], %get3A_181 {strides = array<i32>} : memref<8x4352xf32, #tpu.memory_space<vmem>>, vector<1x4352xf32>,
      %get3A_184 = arith.constant 0 : index
      %get3A_185 = arith.constant 0 : index
      %get3A_186 = arith.constant 7 : index
      %get3A_187 = vector.load %arg2[%get3A_184, %get3A_185, %get3A_186] : memref<1x1x4608xf32, #tpu.memory_space<vmem>>, vector<1x1x4352xf32>
      %get3A_188 = vector.shape_cast %get3A_187 : vector<1x1x4352xf32> to vector<1x4352xf32>
      %swap3A_189 = arith.constant 1 : index
      %swap3A_190 = arith.constant 0 : index
      %swap3A_191 = vector.load %arg4[%swap3A_189, %swap3A_190] : memref<8x4352xf32, #tpu.memory_space<vmem>>, vector<1x4352xf32>
      tpu.vector_store %arg4[%swap3A_189, %swap3A_190], %get3A_188 {strides = array<i32>} : memref<8x4352xf32, #tpu.memory_space<vmem>>, vector<1x4352xf32>,
      %get3A_192 = arith.constant 0 : index
      %get3A_193 = arith.constant 0 : index
      %get3A_194 = arith.constant 6 : index
      %get3A_195 = vector.load %arg2[%get3A_192, %get3A_193, %get3A_194] : memref<1x1x4608xf32, #tpu.memory_space<vmem>>, vector<1x1x4352xf32>
      %get3A_196 = vector.shape_cast %get3A_195 : vector<1x1x4352xf32> to vector<1x4352xf32>
      %swap3A_197 = arith.constant 2 : index
      %swap3A_198 = arith.constant 0 : index
      %swap3A_199 = vector.load %arg4[%swap3A_197, %swap3A_198] : memref<8x4352xf32, #tpu.memory_space<vmem>>, vector<1x4352xf32>
      tpu.vector_store %arg4[%swap3A_197, %swap3A_198], %get3A_196 {strides = array<i32>} : memref<8x4352xf32, #tpu.memory_space<vmem>>, vector<1x4352xf32>,
      %get3A_200 = arith.constant 0 : index
      %get3A_201 = arith.constant 0 : index
      %get3A_202 = arith.constant 5 : index
      %get3A_203 = vector.load %arg2[%get3A_200, %get3A_201, %get3A_202] : memref<1x1x4608xf32, #tpu.memory_space<vmem>>, vector<1x1x4352xf32>
      %get3A_204 = vector.shape_cast %get3A_203 : vector<1x1x4352xf32> to vector<1x4352xf32>
      %swap3A_205 = arith.constant 3 : index
      %swap3A_206 = arith.constant 0 : index
      %swap3A_207 = vector.load %arg4[%swap3A_205, %swap3A_206] : memref<8x4352xf32, #tpu.memory_space<vmem>>, vector<1x4352xf32>
      tpu.vector_store %arg4[%swap3A_205, %swap3A_206], %get3A_204 {strides = array<i32>} : memref<8x4352xf32, #tpu.memory_space<vmem>>, vector<1x4352xf32>,
      %get3A_208 = arith.constant 0 : index
      %get3A_209 = arith.constant 0 : index
      %get3A_210 = arith.constant 4 : index
      %get3A_211 = vector.load %arg2[%get3A_208, %get3A_209, %get3A_210] : memref<1x1x4608xf32, #tpu.memory_space<vmem>>, vector<1x1x4352xf32>
      %get3A_212 = vector.shape_cast %get3A_211 : vector<1x1x4352xf32> to vector<1x4352xf32>
      %swap3A_213 = arith.constant 4 : index
      %swap3A_214 = arith.constant 0 : index
      %swap3A_215 = vector.load %arg4[%swap3A_213, %swap3A_214] : memref<8x4352xf32, #tpu.memory_space<vmem>>, vector<1x4352xf32>
      tpu.vector_store %arg4[%swap3A_213, %swap3A_214], %get3A_212 {strides = array<i32>} : memref<8x4352xf32, #tpu.memory_space<vmem>>, vector<1x4352xf32>,
      %get3A_216 = arith.constant 0 : index
      %get3A_217 = arith.constant 0 : index
      %get3A_218 = arith.constant 3 : index
      %get3A_219 = vector.load %arg2[%get3A_216, %get3A_217, %get3A_218] : memref<1x1x4608xf32, #tpu.memory_space<vmem>>, vector<1x1x4352xf32>
      %get3A_220 = vector.shape_cast %get3A_219 : vector<1x1x4352xf32> to vector<1x4352xf32>
      %swap3A_221 = arith.constant 5 : index
      %swap3A_222 = arith.constant 0 : index
      %swap3A_223 = vector.load %arg4[%swap3A_221, %swap3A_222] : memref<8x4352xf32, #tpu.memory_space<vmem>>, vector<1x4352xf32>
      tpu.vector_store %arg4[%swap3A_221, %swap3A_222], %get3A_220 {strides = array<i32>} : memref<8x4352xf32, #tpu.memory_space<vmem>>, vector<1x4352xf32>,
      %get3A_224 = arith.constant 0 : index
      %get3A_225 = arith.constant 0 : index
      %get3A_226 = arith.constant 2 : index
      %get3A_227 = vector.load %arg2[%get3A_224, %get3A_225, %get3A_226] : memref<1x1x4608xf32, #tpu.memory_space<vmem>>, vector<1x1x4352xf32>
      %get3A_228 = vector.shape_cast %get3A_227 : vector<1x1x4352xf32> to vector<1x4352xf32>
      %swap3A_229 = arith.constant 6 : index
      %swap3A_230 = arith.constant 0 : index
      %swap3A_231 = vector.load %arg4[%swap3A_229, %swap3A_230] : memref<8x4352xf32, #tpu.memory_space<vmem>>, vector<1x4352xf32>
      tpu.vector_store %arg4[%swap3A_229, %swap3A_230], %get3A_228 {strides = array<i32>} : memref<8x4352xf32, #tpu.memory_space<vmem>>, vector<1x4352xf32>,
      %get3A_232 = arith.constant 0 : index
      %get3A_233 = arith.constant 0 : index
      %get3A_234 = arith.constant 1 : index
      %get3A_235 = vector.load %arg2[%get3A_232, %get3A_233, %get3A_234] : memref<1x1x4608xf32, #tpu.memory_space<vmem>>, vector<1x1x4352xf32>
      %get3A_236 = vector.shape_cast %get3A_235 : vector<1x1x4352xf32> to vector<1x4352xf32>
      %swap3A_237 = arith.constant 7 : index
      %swap3A_238 = arith.constant 0 : index
      %swap3A_239 = vector.load %arg4[%swap3A_237, %swap3A_238] : memref<8x4352xf32, #tpu.memory_space<vmem>>, vector<1x4352xf32>
      tpu.vector_store %arg4[%swap3A_237, %swap3A_238], %get3A_236 {strides = array<i32>} : memref<8x4352xf32, #tpu.memory_space<vmem>>, vector<1x4352xf32>,
      %get3A_240 = arith.constant 0 : index
      %get3A_241 = arith.constant 120 : index
      %get3A_242 = vector.load %arg4[%get3A_240, %get3A_241] : memref<8x4352xf32, #tpu.memory_space<vmem>>, vector<8x4096xf32>
      %swap3A_243 = arith.index_cast %rem3A_3 : i32 to index
      %swap3A_244 = arith.constant 0 : index
      %swap3A_245 = arith.constant 0 : index
      %swap3A_246 = vector.load %arg5[%swap3A_243, %swap3A_244, %swap3A_245] : memref<3x128x4096xf32, #tpu.memory_space<vmem>>, vector<1x8x4096xf32>
      %swap3A_247 = vector.shape_cast %swap3A_246 : vector<1x8x4096xf32> to vector<8x4096xf32>
      %swap3A_248 = vector.shape_cast %get3A_242 : vector<8x4096xf32> to vector<1x8x4096xf32>
      tpu.vector_store %arg5[%swap3A_243, %swap3A_244, %swap3A_245], %swap3A_248 {strides = array<i32>} : memref<3x128x4096xf32, #tpu.memory_space<vmem>>, vector<1x8x4096xf32>,
      %get3A_249 = arith.constant 0 : index
      %get3A_250 = arith.constant 112 : index
      %get3A_251 = vector.load %arg4[%get3A_249, %get3A_250] : memref<8x4352xf32, #tpu.memory_space<vmem>>, vector<8x4096xf32>
      %swap3A_252 = arith.index_cast %rem3A_3 : i32 to index
      %swap3A_253 = arith.constant 8 : index
      %swap3A_254 = arith.constant 0 : index
      %swap3A_255 = vector.load %arg5[%swap3A_252, %swap3A_253, %swap3A_254] : memref<3x128x4096xf32, #tpu.memory_space<vmem>>, vector<1x8x4096xf32>
      %swap3A_256 = vector.shape_cast %swap3A_255 : vector<1x8x4096xf32> to vector<8x4096xf32>
      %swap3A_257 = vector.shape_cast %get3A_251 : vector<8x4096xf32> to vector<1x8x4096xf32>
      tpu.vector_store %arg5[%swap3A_252, %swap3A_253, %swap3A_254], %swap3A_257 {strides = array<i32>} : memref<3x128x4096xf32, #tpu.memory_space<vmem>>, vector<1x8x4096xf32>,
      %get3A_258 = arith.constant 0 : index
      %get3A_259 = arith.constant 104 : index
      %get3A_260 = vector.load %arg4[%get3A_258, %get3A_259] : memref<8x4352xf32, #tpu.memory_space<vmem>>, vector<8x4096xf32>
      %swap3A_261 = arith.index_cast %rem3A_3 : i32 to index
      %swap3A_262 = arith.constant 16 : index
      %swap3A_263 = arith.constant 0 : index
      %swap3A_264 = vector.load %arg5[%swap3A_261, %swap3A_262, %swap3A_263] : memref<3x128x4096xf32, #tpu.memory_space<vmem>>, vector<1x8x4096xf32>
      %swap3A_265 = vector.shape_cast %swap3A_264 : vector<1x8x4096xf32> to vector<8x4096xf32>
      %swap3A_266 = vector.shape_cast %get3A_260 : vector<8x4096xf32> to vector<1x8x4096xf32>
      tpu.vector_store %arg5[%swap3A_261, %swap3A_262, %swap3A_263], %swap3A_266 {strides = array<i32>} : memref<3x128x4096xf32, #tpu.memory_space<vmem>>, vector<1x8x4096xf32>,
      %get3A_267 = arith.constant 0 : index
      %get3A_268 = arith.constant 96 : index
      %get3A_269 = vector.load %arg4[%get3A_267, %get3A_268] : memref<8x4352xf32, #tpu.memory_space<vmem>>, vector<8x4096xf32>
      %swap3A_270 = arith.index_cast %rem3A_3 : i32 to index
      %swap3A_271 = arith.constant 24 : index
      %swap3A_272 = arith.constant 0 : index
      %swap3A_273 = vector.load %arg5[%swap3A_270, %swap3A_271, %swap3A_272] : memref<3x128x4096xf32, #tpu.memory_space<vmem>>, vector<1x8x4096xf32>
      %swap3A_274 = vector.shape_cast %swap3A_273 : vector<1x8x4096xf32> to vector<8x4096xf32>
      %swap3A_275 = vector.shape_cast %get3A_269 : vector<8x4096xf32> to vector<1x8x4096xf32>
      tpu.vector_store %arg5[%swap3A_270, %swap3A_271, %swap3A_272], %swap3A_275 {strides = array<i32>} : memref<3x128x4096xf32, #tpu.memory_space<vmem>>, vector<1x8x4096xf32>,
      %get3A_276 = arith.constant 0 : index
      %get3A_277 = arith.constant 88 : index
      %get3A_278 = vector.load %arg4[%get3A_276, %get3A_277] : memref<8x4352xf32, #tpu.memory_space<vmem>>, vector<8x4096xf32>
      %swap3A_279 = arith.index_cast %rem3A_3 : i32 to index
      %swap3A_280 = arith.constant 32 : index
      %swap3A_281 = arith.constant 0 : index
      %swap3A_282 = vector.load %arg5[%swap3A_279, %swap3A_280, %swap3A_281] : memref<3x128x4096xf32, #tpu.memory_space<vmem>>, vector<1x8x4096xf32>
      %swap3A_283 = vector.shape_cast %swap3A_282 : vector<1x8x4096xf32> to vector<8x4096xf32>
      %swap3A_284 = vector.shape_cast %get3A_278 : vector<8x4096xf32> to vector<1x8x4096xf32>
      tpu.vector_store %arg5[%swap3A_279, %swap3A_280, %swap3A_281], %swap3A_284 {strides = array<i32>} : memref<3x128x4096xf32, #tpu.memory_space<vmem>>, vector<1x8x4096xf32>,
      %get3A_285 = arith.constant 0 : index
      %get3A_286 = arith.constant 80 : index
      %get3A_287 = vector.load %arg4[%get3A_285, %get3A_286] : memref<8x4352xf32, #tpu.memory_space<vmem>>, vector<8x4096xf32>
      %swap3A_288 = arith.index_cast %rem3A_3 : i32 to index
      %swap3A_289 = arith.constant 40 : index
      %swap3A_290 = arith.constant 0 : index
      %swap3A_291 = vector.load %arg5[%swap3A_288, %swap3A_289, %swap3A_290] : memref<3x128x4096xf32, #tpu.memory_space<vmem>>, vector<1x8x4096xf32>
      %swap3A_292 = vector.shape_cast %swap3A_291 : vector<1x8x4096xf32> to vector<8x4096xf32>
      %swap3A_293 = vector.shape_cast %get3A_287 : vector<8x4096xf32> to vector<1x8x4096xf32>
      tpu.vector_store %arg5[%swap3A_288, %swap3A_289, %swap3A_290], %swap3A_293 {strides = array<i32>} : memref<3x128x4096xf32, #tpu.memory_space<vmem>>, vector<1x8x4096xf32>,
      %get3A_294 = arith.constant 0 : index
      %get3A_295 = arith.constant 72 : index
      %get3A_296 = vector.load %arg4[%get3A_294, %get3A_295] : memref<8x4352xf32, #tpu.memory_space<vmem>>, vector<8x4096xf32>
      %swap3A_297 = arith.index_cast %rem3A_3 : i32 to index
      %swap3A_298 = arith.constant 48 : index
      %swap3A_299 = arith.constant 0 : index
      %swap3A_300 = vector.load %arg5[%swap3A_297, %swap3A_298, %swap3A_299] : memref<3x128x4096xf32, #tpu.memory_space<vmem>>, vector<1x8x4096xf32>
      %swap3A_301 = vector.shape_cast %swap3A_300 : vector<1x8x4096xf32> to vector<8x4096xf32>
      %swap3A_302 = vector.shape_cast %get3A_296 : vector<8x4096xf32> to vector<1x8x4096xf32>
      tpu.vector_store %arg5[%swap3A_297, %swap3A_298, %swap3A_299], %swap3A_302 {strides = array<i32>} : memref<3x128x4096xf32, #tpu.memory_space<vmem>>, vector<1x8x4096xf32>,
      %get3A_303 = arith.constant 0 : index
      %get3A_304 = arith.constant 64 : index
      %get3A_305 = vector.load %arg4[%get3A_303, %get3A_304] : memref<8x4352xf32, #tpu.memory_space<vmem>>, vector<8x4096xf32>
      %swap3A_306 = arith.index_cast %rem3A_3 : i32 to index
      %swap3A_307 = arith.constant 56 : index
      %swap3A_308 = arith.constant 0 : index
      %swap3A_309 = vector.load %arg5[%swap3A_306, %swap3A_307, %swap3A_308] : memref<3x128x4096xf32, #tpu.memory_space<vmem>>, vector<1x8x4096xf32>
      %swap3A_310 = vector.shape_cast %swap3A_309 : vector<1x8x4096xf32> to vector<8x4096xf32>
      %swap3A_311 = vector.shape_cast %get3A_305 : vector<8x4096xf32> to vector<1x8x4096xf32>
      tpu.vector_store %arg5[%swap3A_306, %swap3A_307, %swap3A_308], %swap3A_311 {strides = array<i32>} : memref<3x128x4096xf32, #tpu.memory_space<vmem>>, vector<1x8x4096xf32>,
      %get3A_312 = arith.constant 0 : index
      %get3A_313 = arith.constant 56 : index
      %get3A_314 = vector.load %arg4[%get3A_312, %get3A_313] : memref<8x4352xf32, #tpu.memory_space<vmem>>, vector<8x4096xf32>
      %swap3A_315 = arith.index_cast %rem3A_3 : i32 to index
      %swap3A_316 = arith.constant 64 : index
      %swap3A_317 = arith.constant 0 : index
      %swap3A_318 = vector.load %arg5[%swap3A_315, %swap3A_316, %swap3A_317] : memref<3x128x4096xf32, #tpu.memory_space<vmem>>, vector<1x8x4096xf32>
      %swap3A_319 = vector.shape_cast %swap3A_318 : vector<1x8x4096xf32> to vector<8x4096xf32>
      %swap3A_320 = vector.shape_cast %get3A_314 : vector<8x4096xf32> to vector<1x8x4096xf32>
      tpu.vector_store %arg5[%swap3A_315, %swap3A_316, %swap3A_317], %swap3A_320 {strides = array<i32>} : memref<3x128x4096xf32, #tpu.memory_space<vmem>>, vector<1x8x4096xf32>,
      %get3A_321 = arith.constant 0 : index
      %get3A_322 = arith.constant 48 : index
      %get3A_323 = vector.load %arg4[%get3A_321, %get3A_322] : memref<8x4352xf32, #tpu.memory_space<vmem>>, vector<8x4096xf32>
      %swap3A_324 = arith.index_cast %rem3A_3 : i32 to index
      %swap3A_325 = arith.constant 72 : index
      %swap3A_326 = arith.constant 0 : index
      %swap3A_327 = vector.load %arg5[%swap3A_324, %swap3A_325, %swap3A_326] : memref<3x128x4096xf32, #tpu.memory_space<vmem>>, vector<1x8x4096xf32>
      %swap3A_328 = vector.shape_cast %swap3A_327 : vector<1x8x4096xf32> to vector<8x4096xf32>
      %swap3A_329 = vector.shape_cast %get3A_323 : vector<8x4096xf32> to vector<1x8x4096xf32>
      tpu.vector_store %arg5[%swap3A_324, %swap3A_325, %swap3A_326], %swap3A_329 {strides = array<i32>} : memref<3x128x4096xf32, #tpu.memory_space<vmem>>, vector<1x8x4096xf32>,
      %get3A_330 = arith.constant 0 : index
      %get3A_331 = arith.constant 40 : index
      %get3A_332 = vector.load %arg4[%get3A_330, %get3A_331] : memref<8x4352xf32, #tpu.memory_space<vmem>>, vector<8x4096xf32>
      %swap3A_333 = arith.index_cast %rem3A_3 : i32 to index
      %swap3A_334 = arith.constant 80 : index
      %swap3A_335 = arith.constant 0 : index
      %swap3A_336 = vector.load %arg5[%swap3A_333, %swap3A_334, %swap3A_335] : memref<3x128x4096xf32, #tpu.memory_space<vmem>>, vector<1x8x4096xf32>
      %swap3A_337 = vector.shape_cast %swap3A_336 : vector<1x8x4096xf32> to vector<8x4096xf32>
      %swap3A_338 = vector.shape_cast %get3A_332 : vector<8x4096xf32> to vector<1x8x4096xf32>
      tpu.vector_store %arg5[%swap3A_333, %swap3A_334, %swap3A_335], %swap3A_338 {strides = array<i32>} : memref<3x128x4096xf32, #tpu.memory_space<vmem>>, vector<1x8x4096xf32>,
      %get3A_339 = arith.constant 0 : index
      %get3A_340 = arith.constant 32 : index
      %get3A_341 = vector.load %arg4[%get3A_339, %get3A_340] : memref<8x4352xf32, #tpu.memory_space<vmem>>, vector<8x4096xf32>
      %swap3A_342 = arith.index_cast %rem3A_3 : i32 to index
      %swap3A_343 = arith.constant 88 : index
      %swap3A_344 = arith.constant 0 : index
      %swap3A_345 = vector.load %arg5[%swap3A_342, %swap3A_343, %swap3A_344] : memref<3x128x4096xf32, #tpu.memory_space<vmem>>, vector<1x8x4096xf32>
      %swap3A_346 = vector.shape_cast %swap3A_345 : vector<1x8x4096xf32> to vector<8x4096xf32>
      %swap3A_347 = vector.shape_cast %get3A_341 : vector<8x4096xf32> to vector<1x8x4096xf32>
      tpu.vector_store %arg5[%swap3A_342, %swap3A_343, %swap3A_344], %swap3A_347 {strides = array<i32>} : memref<3x128x4096xf32, #tpu.memory_space<vmem>>, vector<1x8x4096xf32>,
      %get3A_348 = arith.constant 0 : index
      %get3A_349 = arith.constant 24 : index
      %get3A_350 = vector.load %arg4[%get3A_348, %get3A_349] : memref<8x4352xf32, #tpu.memory_space<vmem>>, vector<8x4096xf32>
      %swap3A_351 = arith.index_cast %rem3A_3 : i32 to index
      %swap3A_352 = arith.constant 96 : index
      %swap3A_353 = arith.constant 0 : index
      %swap3A_354 = vector.load %arg5[%swap3A_351, %swap3A_352, %swap3A_353] : memref<3x128x4096xf32, #tpu.memory_space<vmem>>, vector<1x8x4096xf32>
      %swap3A_355 = vector.shape_cast %swap3A_354 : vector<1x8x4096xf32> to vector<8x4096xf32>
      %swap3A_356 = vector.shape_cast %get3A_350 : vector<8x4096xf32> to vector<1x8x4096xf32>
      tpu.vector_store %arg5[%swap3A_351, %swap3A_352, %swap3A_353], %swap3A_356 {strides = array<i32>} : memref<3x128x4096xf32, #tpu.memory_space<vmem>>, vector<1x8x4096xf32>,
      %get3A_357 = arith.constant 0 : index
      %get3A_358 = arith.constant 16 : index
      %get3A_359 = vector.load %arg4[%get3A_357, %get3A_358] : memref<8x4352xf32, #tpu.memory_space<vmem>>, vector<8x4096xf32>
      %swap3A_360 = arith.index_cast %rem3A_3 : i32 to index
      %swap3A_361 = arith.constant 104 : index
      %swap3A_362 = arith.constant 0 : index
      %swap3A_363 = vector.load %arg5[%swap3A_360, %swap3A_361, %swap3A_362] : memref<3x128x4096xf32, #tpu.memory_space<vmem>>, vector<1x8x4096xf32>
      %swap3A_364 = vector.shape_cast %swap3A_363 : vector<1x8x4096xf32> to vector<8x4096xf32>
      %swap3A_365 = vector.shape_cast %get3A_359 : vector<8x4096xf32> to vector<1x8x4096xf32>
      tpu.vector_store %arg5[%swap3A_360, %swap3A_361, %swap3A_362], %swap3A_365 {strides = array<i32>} : memref<3x128x4096xf32, #tpu.memory_space<vmem>>, vector<1x8x4096xf32>,
      %get3A_366 = arith.constant 0 : index
      %get3A_367 = arith.constant 8 : index
      %get3A_368 = vector.load %arg4[%get3A_366, %get3A_367] : memref<8x4352xf32, #tpu.memory_space<vmem>>, vector<8x4096xf32>
      %swap3A_369 = arith.index_cast %rem3A_3 : i32 to index
      %swap3A_370 = arith.constant 112 : index
      %swap3A_371 = arith.constant 0 : index
      %swap3A_372 = vector.load %arg5[%swap3A_369, %swap3A_370, %swap3A_371] : memref<3x128x4096xf32, #tpu.memory_space<vmem>>, vector<1x8x4096xf32>
      %swap3A_373 = vector.shape_cast %swap3A_372 : vector<1x8x4096xf32> to vector<8x4096xf32>
      %swap3A_374 = vector.shape_cast %get3A_368 : vector<8x4096xf32> to vector<1x8x4096xf32>
      tpu.vector_store %arg5[%swap3A_369, %swap3A_370, %swap3A_371], %swap3A_374 {strides = array<i32>} : memref<3x128x4096xf32, #tpu.memory_space<vmem>>, vector<1x8x4096xf32>,
      %get3A_375 = arith.constant 0 : index
      %get3A_376 = arith.constant 0 : index
      %get3A_377 = vector.load %arg4[%get3A_375, %get3A_376] : memref<8x4352xf32, #tpu.memory_space<vmem>>, vector<8x4096xf32>
      %swap3A_378 = arith.index_cast %rem3A_3 : i32 to index
      %swap3A_379 = arith.constant 120 : index
      %swap3A_380 = arith.constant 0 : index
      %swap3A_381 = vector.load %arg5[%swap3A_378, %swap3A_379, %swap3A_380] : memref<3x128x4096xf32, #tpu.memory_space<vmem>>, vector<1x8x4096xf32>
      %swap3A_382 = vector.shape_cast %swap3A_381 : vector<1x8x4096xf32> to vector<8x4096xf32>
      %swap3A_383 = vector.shape_cast %get3A_377 : vector<8x4096xf32> to vector<1x8x4096xf32>
      tpu.vector_store %arg5[%swap3A_378, %swap3A_379, %swap3A_380], %swap3A_383 {strides = array<i32>} : memref<3x128x4096xf32, #tpu.memory_space<vmem>>, vector<1x8x4096xf32>,
    } else {
    }
    %eq3A_173 = arith.constant 15 : i32
    %eq3A_174 = arith.cmpi eq, %arg0, %eq3A_173 : i32
    %convert_element_type3A_175 = arith.extui %eq3A_174 : i1 to i32
    %cond3A_176 = arith.constant 0 : i32
    %cond3A_177 = arith.cmpi ne, %convert_element_type3A_175, %cond3A_176 : i32
    scf.if %cond3A_177 {
      %sub3A = arith.constant 1 : i32
      %sub3A_178 = arith.subi %arg0, %sub3A : i32
      %sub3A_179 = arith.constant 1 : i32
      %sub3A_180 = arith.subi %arg0, %sub3A_179 : i32
      %rem3A_181 = arith.constant 3 : i32
      %rem3A_182 = arith.remsi %sub3A_180, %rem3A_181 : i32
      %dma_wait3A = tpu.memref_slice %arg6[%rem3A_182] : memref<3x!tpu.dma_semaphore, #tpu.memory_space<semaphore_mem>> -> memref<1x!tpu.dma_semaphore, #tpu.memory_space<semaphore_mem>>
      %dma_wait3A_183 = tpu.memref_squeeze %dma_wait3A : memref<1x!tpu.dma_semaphore, #tpu.memory_space<semaphore_mem>> -> memref<!tpu.dma_semaphore, #tpu.memory_space<semaphore_mem>>
      %dma_wait3A_184 = arith.constant 0 : i32
      %dma_wait3A_185 = arith.constant 0 : i32
      %dma_wait3A_186 = tpu.memref_slice %arg3[%sub3A_178, %dma_wait3A_184, %dma_wait3A_185] : memref<16x2048x2048xf32, #tpu.memory_space<any>> -> memref<1x128x2048xf32, #tpu.memory_space<any>>
      %dma_wait3A_187 = tpu.memref_squeeze %dma_wait3A_186 : memref<1x128x2048xf32, #tpu.memory_space<any>> -> memref<128x2048xf32, #tpu.memory_space<any>>
      %dma_wait3A_188 = arith.constant 0 : i32
      %dma_wait3A_189 = arith.constant 2048 : i32
      %dma_wait3A_190 = tpu.memref_slice %arg5[%rem3A_182, %dma_wait3A_188, %dma_wait3A_189] : memref<3x128x4096xf32, #tpu.memory_space<vmem>> -> memref<1x128x2048xf32, #tpu.memory_space<vmem>>
      %dma_wait3A_191 = tpu.memref_squeeze %dma_wait3A_190 : memref<1x128x2048xf32, #tpu.memory_space<vmem>> -> memref<128x2048xf32, #tpu.memory_space<vmem>>
      tpu.wait_dma2 semaphore(%dma_wait3A_183 : memref<!tpu.dma_semaphore, #tpu.memory_space<semaphore_mem>>) src(%dma_wait3A_191 : memref<128x2048xf32, #tpu.memory_space<vmem>>) dst(%dma_wait3A_187 : memref<128x2048xf32, #tpu.memory_space<any>>)
      %sub3A_192 = arith.constant 1 : i32
      %sub3A_193 = arith.subi %arg0, %sub3A_192 : i32
      %sub3A_194 = arith.constant 1 : i32
      %sub3A_195 = arith.subi %arg0, %sub3A_194 : i32
      %rem3A_196 = arith.constant 3 : i32
      %rem3A_197 = arith.remsi %sub3A_195, %rem3A_196 : i32
      %dma_wait3A_198 = tpu.memref_slice %arg6[%rem3A_197] : memref<3x!tpu.dma_semaphore, #tpu.memory_space<semaphore_mem>> -> memref<1x!tpu.dma_semaphore, #tpu.memory_space<semaphore_mem>>
      %dma_wait3A_199 = tpu.memref_squeeze %dma_wait3A_198 : memref<1x!tpu.dma_semaphore, #tpu.memory_space<semaphore_mem>> -> memref<!tpu.dma_semaphore, #tpu.memory_space<semaphore_mem>>
      %dma_wait3A_200 = arith.constant 128 : i32
      %dma_wait3A_201 = arith.constant 0 : i32
      %dma_wait3A_202 = tpu.memref_slice %arg3[%sub3A_193, %dma_wait3A_200, %dma_wait3A_201] : memref<16x2048x2048xf32, #tpu.memory_space<any>> -> memref<1x128x2048xf32, #tpu.memory_space<any>>
      %dma_wait3A_203 = tpu.memref_squeeze %dma_wait3A_202 : memref<1x128x2048xf32, #tpu.memory_space<any>> -> memref<128x2048xf32, #tpu.memory_space<any>>
      %dma_wait3A_204 = arith.constant 0 : i32
      %dma_wait3A_205 = arith.constant 1920 : i32
      %dma_wait3A_206 = tpu.memref_slice %arg5[%rem3A_197, %dma_wait3A_204, %dma_wait3A_205] : memref<3x128x4096xf32, #tpu.memory_space<vmem>> -> memref<1x128x2048xf32, #tpu.memory_space<vmem>>
      %dma_wait3A_207 = tpu.memref_squeeze %dma_wait3A_206 : memref<1x128x2048xf32, #tpu.memory_space<vmem>> -> memref<128x2048xf32, #tpu.memory_space<vmem>>
      tpu.wait_dma2 semaphore(%dma_wait3A_199 : memref<!tpu.dma_semaphore, #tpu.memory_space<semaphore_mem>>) src(%dma_wait3A_207 : memref<128x2048xf32, #tpu.memory_space<vmem>>) dst(%dma_wait3A_203 : memref<128x2048xf32, #tpu.memory_space<any>>)
      %sub3A_208 = arith.constant 1 : i32
      %sub3A_209 = arith.subi %arg0, %sub3A_208 : i32
      %sub3A_210 = arith.constant 1 : i32
      %sub3A_211 = arith.subi %arg0, %sub3A_210 : i32
      %rem3A_212 = arith.constant 3 : i32
      %rem3A_213 = arith.remsi %sub3A_211, %rem3A_212 : i32
      %dma_wait3A_214 = tpu.memref_slice %arg6[%rem3A_213] : memref<3x!tpu.dma_semaphore, #tpu.memory_space<semaphore_mem>> -> memref<1x!tpu.dma_semaphore, #tpu.memory_space<semaphore_mem>>
      %dma_wait3A_215 = tpu.memref_squeeze %dma_wait3A_214 : memref<1x!tpu.dma_semaphore, #tpu.memory_space<semaphore_mem>> -> memref<!tpu.dma_semaphore, #tpu.memory_space<semaphore_mem>>
      %dma_wait3A_216 = arith.constant 256 : i32
      %dma_wait3A_217 = arith.constant 0 : i32
      %dma_wait3A_218 = tpu.memref_slice %arg3[%sub3A_209, %dma_wait3A_216, %dma_wait3A_217] : memref<16x2048x2048xf32, #tpu.memory_space<any>> -> memref<1x128x2048xf32, #tpu.memory_space<any>>
      %dma_wait3A_219 = tpu.memref_squeeze %dma_wait3A_218 : memref<1x128x2048xf32, #tpu.memory_space<any>> -> memref<128x2048xf32, #tpu.memory_space<any>>
      %dma_wait3A_220 = arith.constant 0 : i32
      %dma_wait3A_221 = arith.constant 1792 : i32
      %dma_wait3A_222 = tpu.memref_slice %arg5[%rem3A_213, %dma_wait3A_220, %dma_wait3A_221] : memref<3x128x4096xf32, #tpu.memory_space<vmem>> -> memref<1x128x2048xf32, #tpu.memory_space<vmem>>
      %dma_wait3A_223 = tpu.memref_squeeze %dma_wait3A_222 : memref<1x128x2048xf32, #tpu.memory_space<vmem>> -> memref<128x2048xf32, #tpu.memory_space<vmem>>
      tpu.wait_dma2 semaphore(%dma_wait3A_215 : memref<!tpu.dma_semaphore, #tpu.memory_space<semaphore_mem>>) src(%dma_wait3A_223 : memref<128x2048xf32, #tpu.memory_space<vmem>>) dst(%dma_wait3A_219 : memref<128x2048xf32, #tpu.memory_space<any>>)
      %sub3A_224 = arith.constant 1 : i32
      %sub3A_225 = arith.subi %arg0, %sub3A_224 : i32
      %sub3A_226 = arith.constant 1 : i32
      %sub3A_227 = arith.subi %arg0, %sub3A_226 : i32
      %rem3A_228 = arith.constant 3 : i32
      %rem3A_229 = arith.remsi %sub3A_227, %rem3A_228 : i32
      %dma_wait3A_230 = tpu.memref_slice %arg6[%rem3A_229] : memref<3x!tpu.dma_semaphore, #tpu.memory_space<semaphore_mem>> -> memref<1x!tpu.dma_semaphore, #tpu.memory_space<semaphore_mem>>
      %dma_wait3A_231 = tpu.memref_squeeze %dma_wait3A_230 : memref<1x!tpu.dma_semaphore, #tpu.memory_space<semaphore_mem>> -> memref<!tpu.dma_semaphore, #tpu.memory_space<semaphore_mem>>
      %dma_wait3A_232 = arith.constant 384 : i32
      %dma_wait3A_233 = arith.constant 0 : i32
      %dma_wait3A_234 = tpu.memref_slice %arg3[%sub3A_225, %dma_wait3A_232, %dma_wait3A_233] : memref<16x2048x2048xf32, #tpu.memory_space<any>> -> memref<1x128x2048xf32, #tpu.memory_space<any>>
      %dma_wait3A_235 = tpu.memref_squeeze %dma_wait3A_234 : memref<1x128x2048xf32, #tpu.memory_space<any>> -> memref<128x2048xf32, #tpu.memory_space<any>>
      %dma_wait3A_236 = arith.constant 0 : i32
      %dma_wait3A_237 = arith.constant 1664 : i32
      %dma_wait3A_238 = tpu.memref_slice %arg5[%rem3A_229, %dma_wait3A_236, %dma_wait3A_237] : memref<3x128x4096xf32, #tpu.memory_space<vmem>> -> memref<1x128x2048xf32, #tpu.memory_space<vmem>>
      %dma_wait3A_239 = tpu.memref_squeeze %dma_wait3A_238 : memref<1x128x2048xf32, #tpu.memory_space<vmem>> -> memref<128x2048xf32, #tpu.memory_space<vmem>>
      tpu.wait_dma2 semaphore(%dma_wait3A_231 : memref<!tpu.dma_semaphore, #tpu.memory_space<semaphore_mem>>) src(%dma_wait3A_239 : memref<128x2048xf32, #tpu.memory_space<vmem>>) dst(%dma_wait3A_235 : memref<128x2048xf32, #tpu.memory_space<any>>)
      %sub3A_240 = arith.constant 1 : i32
      %sub3A_241 = arith.subi %arg0, %sub3A_240 : i32
      %sub3A_242 = arith.constant 1 : i32
      %sub3A_243 = arith.subi %arg0, %sub3A_242 : i32
      %rem3A_244 = arith.constant 3 : i32
      %rem3A_245 = arith.remsi %sub3A_243, %rem3A_244 : i32
      %dma_wait3A_246 = tpu.memref_slice %arg6[%rem3A_245] : memref<3x!tpu.dma_semaphore, #tpu.memory_space<semaphore_mem>> -> memref<1x!tpu.dma_semaphore, #tpu.memory_space<semaphore_mem>>
      %dma_wait3A_247 = tpu.memref_squeeze %dma_wait3A_246 : memref<1x!tpu.dma_semaphore, #tpu.memory_space<semaphore_mem>> -> memref<!tpu.dma_semaphore, #tpu.memory_space<semaphore_mem>>
      %dma_wait3A_248 = arith.constant 512 : i32
      %dma_wait3A_249 = arith.constant 0 : i32
      %dma_wait3A_250 = tpu.memref_slice %arg3[%sub3A_241, %dma_wait3A_248, %dma_wait3A_249] : memref<16x2048x2048xf32, #tpu.memory_space<any>> -> memref<1x128x2048xf32, #tpu.memory_space<any>>
      %dma_wait3A_251 = tpu.memref_squeeze %dma_wait3A_250 : memref<1x128x2048xf32, #tpu.memory_space<any>> -> memref<128x2048xf32, #tpu.memory_space<any>>
      %dma_wait3A_252 = arith.constant 0 : i32
      %dma_wait3A_253 = arith.constant 1536 : i32
      %dma_wait3A_254 = tpu.memref_slice %arg5[%rem3A_245, %dma_wait3A_252, %dma_wait3A_253] : memref<3x128x4096xf32, #tpu.memory_space<vmem>> -> memref<1x128x2048xf32, #tpu.memory_space<vmem>>
      %dma_wait3A_255 = tpu.memref_squeeze %dma_wait3A_254 : memref<1x128x2048xf32, #tpu.memory_space<vmem>> -> memref<128x2048xf32, #tpu.memory_space<vmem>>
      tpu.wait_dma2 semaphore(%dma_wait3A_247 : memref<!tpu.dma_semaphore, #tpu.memory_space<semaphore_mem>>) src(%dma_wait3A_255 : memref<128x2048xf32, #tpu.memory_space<vmem>>) dst(%dma_wait3A_251 : memref<128x2048xf32, #tpu.memory_space<any>>)
      %sub3A_256 = arith.constant 1 : i32
      %sub3A_257 = arith.subi %arg0, %sub3A_256 : i32
      %sub3A_258 = arith.constant 1 : i32
      %sub3A_259 = arith.subi %arg0, %sub3A_258 : i32
      %rem3A_260 = arith.constant 3 : i32
      %rem3A_261 = arith.remsi %sub3A_259, %rem3A_260 : i32
      %dma_wait3A_262 = tpu.memref_slice %arg6[%rem3A_261] : memref<3x!tpu.dma_semaphore, #tpu.memory_space<semaphore_mem>> -> memref<1x!tpu.dma_semaphore, #tpu.memory_space<semaphore_mem>>
      %dma_wait3A_263 = tpu.memref_squeeze %dma_wait3A_262 : memref<1x!tpu.dma_semaphore, #tpu.memory_space<semaphore_mem>> -> memref<!tpu.dma_semaphore, #tpu.memory_space<semaphore_mem>>
      %dma_wait3A_264 = arith.constant 640 : i32
      %dma_wait3A_265 = arith.constant 0 : i32
      %dma_wait3A_266 = tpu.memref_slice %arg3[%sub3A_257, %dma_wait3A_264, %dma_wait3A_265] : memref<16x2048x2048xf32, #tpu.memory_space<any>> -> memref<1x128x2048xf32, #tpu.memory_space<any>>
      %dma_wait3A_267 = tpu.memref_squeeze %dma_wait3A_266 : memref<1x128x2048xf32, #tpu.memory_space<any>> -> memref<128x2048xf32, #tpu.memory_space<any>>
      %dma_wait3A_268 = arith.constant 0 : i32
      %dma_wait3A_269 = arith.constant 1408 : i32
      %dma_wait3A_270 = tpu.memref_slice %arg5[%rem3A_261, %dma_wait3A_268, %dma_wait3A_269] : memref<3x128x4096xf32, #tpu.memory_space<vmem>> -> memref<1x128x2048xf32, #tpu.memory_space<vmem>>
      %dma_wait3A_271 = tpu.memref_squeeze %dma_wait3A_270 : memref<1x128x2048xf32, #tpu.memory_space<vmem>> -> memref<128x2048xf32, #tpu.memory_space<vmem>>
      tpu.wait_dma2 semaphore(%dma_wait3A_263 : memref<!tpu.dma_semaphore, #tpu.memory_space<semaphore_mem>>) src(%dma_wait3A_271 : memref<128x2048xf32, #tpu.memory_space<vmem>>) dst(%dma_wait3A_267 : memref<128x2048xf32, #tpu.memory_space<any>>)
      %sub3A_272 = arith.constant 1 : i32
      %sub3A_273 = arith.subi %arg0, %sub3A_272 : i32
      %sub3A_274 = arith.constant 1 : i32
      %sub3A_275 = arith.subi %arg0, %sub3A_274 : i32
      %rem3A_276 = arith.constant 3 : i32
      %rem3A_277 = arith.remsi %sub3A_275, %rem3A_276 : i32
      %dma_wait3A_278 = tpu.memref_slice %arg6[%rem3A_277] : memref<3x!tpu.dma_semaphore, #tpu.memory_space<semaphore_mem>> -> memref<1x!tpu.dma_semaphore, #tpu.memory_space<semaphore_mem>>
      %dma_wait3A_279 = tpu.memref_squeeze %dma_wait3A_278 : memref<1x!tpu.dma_semaphore, #tpu.memory_space<semaphore_mem>> -> memref<!tpu.dma_semaphore, #tpu.memory_space<semaphore_mem>>
      %dma_wait3A_280 = arith.constant 768 : i32
      %dma_wait3A_281 = arith.constant 0 : i32
      %dma_wait3A_282 = tpu.memref_slice %arg3[%sub3A_273, %dma_wait3A_280, %dma_wait3A_281] : memref<16x2048x2048xf32, #tpu.memory_space<any>> -> memref<1x128x2048xf32, #tpu.memory_space<any>>
      %dma_wait3A_283 = tpu.memref_squeeze %dma_wait3A_282 : memref<1x128x2048xf32, #tpu.memory_space<any>> -> memref<128x2048xf32, #tpu.memory_space<any>>
      %dma_wait3A_284 = arith.constant 0 : i32
      %dma_wait3A_285 = arith.constant 1280 : i32
      %dma_wait3A_286 = tpu.memref_slice %arg5[%rem3A_277, %dma_wait3A_284, %dma_wait3A_285] : memref<3x128x4096xf32, #tpu.memory_space<vmem>> -> memref<1x128x2048xf32, #tpu.memory_space<vmem>>
      %dma_wait3A_287 = tpu.memref_squeeze %dma_wait3A_286 : memref<1x128x2048xf32, #tpu.memory_space<vmem>> -> memref<128x2048xf32, #tpu.memory_space<vmem>>
      tpu.wait_dma2 semaphore(%dma_wait3A_279 : memref<!tpu.dma_semaphore, #tpu.memory_space<semaphore_mem>>) src(%dma_wait3A_287 : memref<128x2048xf32, #tpu.memory_space<vmem>>) dst(%dma_wait3A_283 : memref<128x2048xf32, #tpu.memory_space<any>>)
      %sub3A_288 = arith.constant 1 : i32
      %sub3A_289 = arith.subi %arg0, %sub3A_288 : i32
      %sub3A_290 = arith.constant 1 : i32
      %sub3A_291 = arith.subi %arg0, %sub3A_290 : i32
      %rem3A_292 = arith.constant 3 : i32
      %rem3A_293 = arith.remsi %sub3A_291, %rem3A_292 : i32
      %dma_wait3A_294 = tpu.memref_slice %arg6[%rem3A_293] : memref<3x!tpu.dma_semaphore, #tpu.memory_space<semaphore_mem>> -> memref<1x!tpu.dma_semaphore, #tpu.memory_space<semaphore_mem>>
      %dma_wait3A_295 = tpu.memref_squeeze %dma_wait3A_294 : memref<1x!tpu.dma_semaphore, #tpu.memory_space<semaphore_mem>> -> memref<!tpu.dma_semaphore, #tpu.memory_space<semaphore_mem>>
      %dma_wait3A_296 = arith.constant 896 : i32
      %dma_wait3A_297 = arith.constant 0 : i32
      %dma_wait3A_298 = tpu.memref_slice %arg3[%sub3A_289, %dma_wait3A_296, %dma_wait3A_297] : memref<16x2048x2048xf32, #tpu.memory_space<any>> -> memref<1x128x2048xf32, #tpu.memory_space<any>>
      %dma_wait3A_299 = tpu.memref_squeeze %dma_wait3A_298 : memref<1x128x2048xf32, #tpu.memory_space<any>> -> memref<128x2048xf32, #tpu.memory_space<any>>
      %dma_wait3A_300 = arith.constant 0 : i32
      %dma_wait3A_301 = arith.constant 1152 : i32
      %dma_wait3A_302 = tpu.memref_slice %arg5[%rem3A_293, %dma_wait3A_300, %dma_wait3A_301] : memref<3x128x4096xf32, #tpu.memory_space<vmem>> -> memref<1x128x2048xf32, #tpu.memory_space<vmem>>
      %dma_wait3A_303 = tpu.memref_squeeze %dma_wait3A_302 : memref<1x128x2048xf32, #tpu.memory_space<vmem>> -> memref<128x2048xf32, #tpu.memory_space<vmem>>
      tpu.wait_dma2 semaphore(%dma_wait3A_295 : memref<!tpu.dma_semaphore, #tpu.memory_space<semaphore_mem>>) src(%dma_wait3A_303 : memref<128x2048xf32, #tpu.memory_space<vmem>>) dst(%dma_wait3A_299 : memref<128x2048xf32, #tpu.memory_space<any>>)
      %sub3A_304 = arith.constant 1 : i32
      %sub3A_305 = arith.subi %arg0, %sub3A_304 : i32
      %sub3A_306 = arith.constant 1 : i32
      %sub3A_307 = arith.subi %arg0, %sub3A_306 : i32
      %rem3A_308 = arith.constant 3 : i32
      %rem3A_309 = arith.remsi %sub3A_307, %rem3A_308 : i32
      %dma_wait3A_310 = tpu.memref_slice %arg6[%rem3A_309] : memref<3x!tpu.dma_semaphore, #tpu.memory_space<semaphore_mem>> -> memref<1x!tpu.dma_semaphore, #tpu.memory_space<semaphore_mem>>
      %dma_wait3A_311 = tpu.memref_squeeze %dma_wait3A_310 : memref<1x!tpu.dma_semaphore, #tpu.memory_space<semaphore_mem>> -> memref<!tpu.dma_semaphore, #tpu.memory_space<semaphore_mem>>
      %dma_wait3A_312 = arith.constant 1024 : i32
      %dma_wait3A_313 = arith.constant 0 : i32
      %dma_wait3A_314 = tpu.memref_slice %arg3[%sub3A_305, %dma_wait3A_312, %dma_wait3A_313] : memref<16x2048x2048xf32, #tpu.memory_space<any>> -> memref<1x128x2048xf32, #tpu.memory_space<any>>
      %dma_wait3A_315 = tpu.memref_squeeze %dma_wait3A_314 : memref<1x128x2048xf32, #tpu.memory_space<any>> -> memref<128x2048xf32, #tpu.memory_space<any>>
      %dma_wait3A_316 = arith.constant 0 : i32
      %dma_wait3A_317 = arith.constant 1024 : i32
      %dma_wait3A_318 = tpu.memref_slice %arg5[%rem3A_309, %dma_wait3A_316, %dma_wait3A_317] : memref<3x128x4096xf32, #tpu.memory_space<vmem>> -> memref<1x128x2048xf32, #tpu.memory_space<vmem>>
      %dma_wait3A_319 = tpu.memref_squeeze %dma_wait3A_318 : memref<1x128x2048xf32, #tpu.memory_space<vmem>> -> memref<128x2048xf32, #tpu.memory_space<vmem>>
      tpu.wait_dma2 semaphore(%dma_wait3A_311 : memref<!tpu.dma_semaphore, #tpu.memory_space<semaphore_mem>>) src(%dma_wait3A_319 : memref<128x2048xf32, #tpu.memory_space<vmem>>) dst(%dma_wait3A_315 : memref<128x2048xf32, #tpu.memory_space<any>>)
      %sub3A_320 = arith.constant 1 : i32
      %sub3A_321 = arith.subi %arg0, %sub3A_320 : i32
      %sub3A_322 = arith.constant 1 : i32
      %sub3A_323 = arith.subi %arg0, %sub3A_322 : i32
      %rem3A_324 = arith.constant 3 : i32
      %rem3A_325 = arith.remsi %sub3A_323, %rem3A_324 : i32
      %dma_wait3A_326 = tpu.memref_slice %arg6[%rem3A_325] : memref<3x!tpu.dma_semaphore, #tpu.memory_space<semaphore_mem>> -> memref<1x!tpu.dma_semaphore, #tpu.memory_space<semaphore_mem>>
      %dma_wait3A_327 = tpu.memref_squeeze %dma_wait3A_326 : memref<1x!tpu.dma_semaphore, #tpu.memory_space<semaphore_mem>> -> memref<!tpu.dma_semaphore, #tpu.memory_space<semaphore_mem>>
      %dma_wait3A_328 = arith.constant 1152 : i32
      %dma_wait3A_329 = arith.constant 0 : i32
      %dma_wait3A_330 = tpu.memref_slice %arg3[%sub3A_321, %dma_wait3A_328, %dma_wait3A_329] : memref<16x2048x2048xf32, #tpu.memory_space<any>> -> memref<1x128x2048xf32, #tpu.memory_space<any>>
      %dma_wait3A_331 = tpu.memref_squeeze %dma_wait3A_330 : memref<1x128x2048xf32, #tpu.memory_space<any>> -> memref<128x2048xf32, #tpu.memory_space<any>>
      %dma_wait3A_332 = arith.constant 0 : i32
      %dma_wait3A_333 = arith.constant 896 : i32
      %dma_wait3A_334 = tpu.memref_slice %arg5[%rem3A_325, %dma_wait3A_332, %dma_wait3A_333] : memref<3x128x4096xf32, #tpu.memory_space<vmem>> -> memref<1x128x2048xf32, #tpu.memory_space<vmem>>
      %dma_wait3A_335 = tpu.memref_squeeze %dma_wait3A_334 : memref<1x128x2048xf32, #tpu.memory_space<vmem>> -> memref<128x2048xf32, #tpu.memory_space<vmem>>
      tpu.wait_dma2 semaphore(%dma_wait3A_327 : memref<!tpu.dma_semaphore, #tpu.memory_space<semaphore_mem>>) src(%dma_wait3A_335 : memref<128x2048xf32, #tpu.memory_space<vmem>>) dst(%dma_wait3A_331 : memref<128x2048xf32, #tpu.memory_space<any>>)
      %sub3A_336 = arith.constant 1 : i32
      %sub3A_337 = arith.subi %arg0, %sub3A_336 : i32
      %sub3A_338 = arith.constant 1 : i32
      %sub3A_339 = arith.subi %arg0, %sub3A_338 : i32
      %rem3A_340 = arith.constant 3 : i32
      %rem3A_341 = arith.remsi %sub3A_339, %rem3A_340 : i32
      %dma_wait3A_342 = tpu.memref_slice %arg6[%rem3A_341] : memref<3x!tpu.dma_semaphore, #tpu.memory_space<semaphore_mem>> -> memref<1x!tpu.dma_semaphore, #tpu.memory_space<semaphore_mem>>
      %dma_wait3A_343 = tpu.memref_squeeze %dma_wait3A_342 : memref<1x!tpu.dma_semaphore, #tpu.memory_space<semaphore_mem>> -> memref<!tpu.dma_semaphore, #tpu.memory_space<semaphore_mem>>
      %dma_wait3A_344 = arith.constant 1280 : i32
      %dma_wait3A_345 = arith.constant 0 : i32
      %dma_wait3A_346 = tpu.memref_slice %arg3[%sub3A_337, %dma_wait3A_344, %dma_wait3A_345] : memref<16x2048x2048xf32, #tpu.memory_space<any>> -> memref<1x128x2048xf32, #tpu.memory_space<any>>
      %dma_wait3A_347 = tpu.memref_squeeze %dma_wait3A_346 : memref<1x128x2048xf32, #tpu.memory_space<any>> -> memref<128x2048xf32, #tpu.memory_space<any>>
      %dma_wait3A_348 = arith.constant 0 : i32
      %dma_wait3A_349 = arith.constant 768 : i32
      %dma_wait3A_350 = tpu.memref_slice %arg5[%rem3A_341, %dma_wait3A_348, %dma_wait3A_349] : memref<3x128x4096xf32, #tpu.memory_space<vmem>> -> memref<1x128x2048xf32, #tpu.memory_space<vmem>>
      %dma_wait3A_351 = tpu.memref_squeeze %dma_wait3A_350 : memref<1x128x2048xf32, #tpu.memory_space<vmem>> -> memref<128x2048xf32, #tpu.memory_space<vmem>>
      tpu.wait_dma2 semaphore(%dma_wait3A_343 : memref<!tpu.dma_semaphore, #tpu.memory_space<semaphore_mem>>) src(%dma_wait3A_351 : memref<128x2048xf32, #tpu.memory_space<vmem>>) dst(%dma_wait3A_347 : memref<128x2048xf32, #tpu.memory_space<any>>)
      %sub3A_352 = arith.constant 1 : i32
      %sub3A_353 = arith.subi %arg0, %sub3A_352 : i32
      %sub3A_354 = arith.constant 1 : i32
      %sub3A_355 = arith.subi %arg0, %sub3A_354 : i32
      %rem3A_356 = arith.constant 3 : i32
      %rem3A_357 = arith.remsi %sub3A_355, %rem3A_356 : i32
      %dma_wait3A_358 = tpu.memref_slice %arg6[%rem3A_357] : memref<3x!tpu.dma_semaphore, #tpu.memory_space<semaphore_mem>> -> memref<1x!tpu.dma_semaphore, #tpu.memory_space<semaphore_mem>>
      %dma_wait3A_359 = tpu.memref_squeeze %dma_wait3A_358 : memref<1x!tpu.dma_semaphore, #tpu.memory_space<semaphore_mem>> -> memref<!tpu.dma_semaphore, #tpu.memory_space<semaphore_mem>>
      %dma_wait3A_360 = arith.constant 1408 : i32
      %dma_wait3A_361 = arith.constant 0 : i32
      %dma_wait3A_362 = tpu.memref_slice %arg3[%sub3A_353, %dma_wait3A_360, %dma_wait3A_361] : memref<16x2048x2048xf32, #tpu.memory_space<any>> -> memref<1x128x2048xf32, #tpu.memory_space<any>>
      %dma_wait3A_363 = tpu.memref_squeeze %dma_wait3A_362 : memref<1x128x2048xf32, #tpu.memory_space<any>> -> memref<128x2048xf32, #tpu.memory_space<any>>
      %dma_wait3A_364 = arith.constant 0 : i32
      %dma_wait3A_365 = arith.constant 640 : i32
      %dma_wait3A_366 = tpu.memref_slice %arg5[%rem3A_357, %dma_wait3A_364, %dma_wait3A_365] : memref<3x128x4096xf32, #tpu.memory_space<vmem>> -> memref<1x128x2048xf32, #tpu.memory_space<vmem>>
      %dma_wait3A_367 = tpu.memref_squeeze %dma_wait3A_366 : memref<1x128x2048xf32, #tpu.memory_space<vmem>> -> memref<128x2048xf32, #tpu.memory_space<vmem>>
      tpu.wait_dma2 semaphore(%dma_wait3A_359 : memref<!tpu.dma_semaphore, #tpu.memory_space<semaphore_mem>>) src(%dma_wait3A_367 : memref<128x2048xf32, #tpu.memory_space<vmem>>) dst(%dma_wait3A_363 : memref<128x2048xf32, #tpu.memory_space<any>>)
      %sub3A_368 = arith.constant 1 : i32
      %sub3A_369 = arith.subi %arg0, %sub3A_368 : i32
      %sub3A_370 = arith.constant 1 : i32
      %sub3A_371 = arith.subi %arg0, %sub3A_370 : i32
      %rem3A_372 = arith.constant 3 : i32
      %rem3A_373 = arith.remsi %sub3A_371, %rem3A_372 : i32
      %dma_wait3A_374 = tpu.memref_slice %arg6[%rem3A_373] : memref<3x!tpu.dma_semaphore, #tpu.memory_space<semaphore_mem>> -> memref<1x!tpu.dma_semaphore, #tpu.memory_space<semaphore_mem>>
      %dma_wait3A_375 = tpu.memref_squeeze %dma_wait3A_374 : memref<1x!tpu.dma_semaphore, #tpu.memory_space<semaphore_mem>> -> memref<!tpu.dma_semaphore, #tpu.memory_space<semaphore_mem>>
      %dma_wait3A_376 = arith.constant 1536 : i32
      %dma_wait3A_377 = arith.constant 0 : i32
      %dma_wait3A_378 = tpu.memref_slice %arg3[%sub3A_369, %dma_wait3A_376, %dma_wait3A_377] : memref<16x2048x2048xf32, #tpu.memory_space<any>> -> memref<1x128x2048xf32, #tpu.memory_space<any>>
      %dma_wait3A_379 = tpu.memref_squeeze %dma_wait3A_378 : memref<1x128x2048xf32, #tpu.memory_space<any>> -> memref<128x2048xf32, #tpu.memory_space<any>>
      %dma_wait3A_380 = arith.constant 0 : i32
      %dma_wait3A_381 = arith.constant 512 : i32
      %dma_wait3A_382 = tpu.memref_slice %arg5[%rem3A_373, %dma_wait3A_380, %dma_wait3A_381] : memref<3x128x4096xf32, #tpu.memory_space<vmem>> -> memref<1x128x2048xf32, #tpu.memory_space<vmem>>
      %dma_wait3A_383 = tpu.memref_squeeze %dma_wait3A_382 : memref<1x128x2048xf32, #tpu.memory_space<vmem>> -> memref<128x2048xf32, #tpu.memory_space<vmem>>
      tpu.wait_dma2 semaphore(%dma_wait3A_375 : memref<!tpu.dma_semaphore, #tpu.memory_space<semaphore_mem>>) src(%dma_wait3A_383 : memref<128x2048xf32, #tpu.memory_space<vmem>>) dst(%dma_wait3A_379 : memref<128x2048xf32, #tpu.memory_space<any>>)
      %sub3A_384 = arith.constant 1 : i32
      %sub3A_385 = arith.subi %arg0, %sub3A_384 : i32
      %sub3A_386 = arith.constant 1 : i32
      %sub3A_387 = arith.subi %arg0, %sub3A_386 : i32
      %rem3A_388 = arith.constant 3 : i32
      %rem3A_389 = arith.remsi %sub3A_387, %rem3A_388 : i32
      %dma_wait3A_390 = tpu.memref_slice %arg6[%rem3A_389] : memref<3x!tpu.dma_semaphore, #tpu.memory_space<semaphore_mem>> -> memref<1x!tpu.dma_semaphore, #tpu.memory_space<semaphore_mem>>
      %dma_wait3A_391 = tpu.memref_squeeze %dma_wait3A_390 : memref<1x!tpu.dma_semaphore, #tpu.memory_space<semaphore_mem>> -> memref<!tpu.dma_semaphore, #tpu.memory_space<semaphore_mem>>
      %dma_wait3A_392 = arith.constant 1664 : i32
      %dma_wait3A_393 = arith.constant 0 : i32
      %dma_wait3A_394 = tpu.memref_slice %arg3[%sub3A_385, %dma_wait3A_392, %dma_wait3A_393] : memref<16x2048x2048xf32, #tpu.memory_space<any>> -> memref<1x128x2048xf32, #tpu.memory_space<any>>
      %dma_wait3A_395 = tpu.memref_squeeze %dma_wait3A_394 : memref<1x128x2048xf32, #tpu.memory_space<any>> -> memref<128x2048xf32, #tpu.memory_space<any>>
      %dma_wait3A_396 = arith.constant 0 : i32
      %dma_wait3A_397 = arith.constant 384 : i32
      %dma_wait3A_398 = tpu.memref_slice %arg5[%rem3A_389, %dma_wait3A_396, %dma_wait3A_397] : memref<3x128x4096xf32, #tpu.memory_space<vmem>> -> memref<1x128x2048xf32, #tpu.memory_space<vmem>>
      %dma_wait3A_399 = tpu.memref_squeeze %dma_wait3A_398 : memref<1x128x2048xf32, #tpu.memory_space<vmem>> -> memref<128x2048xf32, #tpu.memory_space<vmem>>
      tpu.wait_dma2 semaphore(%dma_wait3A_391 : memref<!tpu.dma_semaphore, #tpu.memory_space<semaphore_mem>>) src(%dma_wait3A_399 : memref<128x2048xf32, #tpu.memory_space<vmem>>) dst(%dma_wait3A_395 : memref<128x2048xf32, #tpu.memory_space<any>>)
      %sub3A_400 = arith.constant 1 : i32
      %sub3A_401 = arith.subi %arg0, %sub3A_400 : i32
      %sub3A_402 = arith.constant 1 : i32
      %sub3A_403 = arith.subi %arg0, %sub3A_402 : i32
      %rem3A_404 = arith.constant 3 : i32
      %rem3A_405 = arith.remsi %sub3A_403, %rem3A_404 : i32
      %dma_wait3A_406 = tpu.memref_slice %arg6[%rem3A_405] : memref<3x!tpu.dma_semaphore, #tpu.memory_space<semaphore_mem>> -> memref<1x!tpu.dma_semaphore, #tpu.memory_space<semaphore_mem>>
      %dma_wait3A_407 = tpu.memref_squeeze %dma_wait3A_406 : memref<1x!tpu.dma_semaphore, #tpu.memory_space<semaphore_mem>> -> memref<!tpu.dma_semaphore, #tpu.memory_space<semaphore_mem>>
      %dma_wait3A_408 = arith.constant 1792 : i32
      %dma_wait3A_409 = arith.constant 0 : i32
      %dma_wait3A_410 = tpu.memref_slice %arg3[%sub3A_401, %dma_wait3A_408, %dma_wait3A_409] : memref<16x2048x2048xf32, #tpu.memory_space<any>> -> memref<1x128x2048xf32, #tpu.memory_space<any>>
      %dma_wait3A_411 = tpu.memref_squeeze %dma_wait3A_410 : memref<1x128x2048xf32, #tpu.memory_space<any>> -> memref<128x2048xf32, #tpu.memory_space<any>>
      %dma_wait3A_412 = arith.constant 0 : i32
      %dma_wait3A_413 = arith.constant 256 : i32
      %dma_wait3A_414 = tpu.memref_slice %arg5[%rem3A_405, %dma_wait3A_412, %dma_wait3A_413] : memref<3x128x4096xf32, #tpu.memory_space<vmem>> -> memref<1x128x2048xf32, #tpu.memory_space<vmem>>
      %dma_wait3A_415 = tpu.memref_squeeze %dma_wait3A_414 : memref<1x128x2048xf32, #tpu.memory_space<vmem>> -> memref<128x2048xf32, #tpu.memory_space<vmem>>
      tpu.wait_dma2 semaphore(%dma_wait3A_407 : memref<!tpu.dma_semaphore, #tpu.memory_space<semaphore_mem>>) src(%dma_wait3A_415 : memref<128x2048xf32, #tpu.memory_space<vmem>>) dst(%dma_wait3A_411 : memref<128x2048xf32, #tpu.memory_space<any>>)
      %sub3A_416 = arith.constant 1 : i32
      %sub3A_417 = arith.subi %arg0, %sub3A_416 : i32
      %sub3A_418 = arith.constant 1 : i32
      %sub3A_419 = arith.subi %arg0, %sub3A_418 : i32
      %rem3A_420 = arith.constant 3 : i32
      %rem3A_421 = arith.remsi %sub3A_419, %rem3A_420 : i32
      %dma_wait3A_422 = tpu.memref_slice %arg6[%rem3A_421] : memref<3x!tpu.dma_semaphore, #tpu.memory_space<semaphore_mem>> -> memref<1x!tpu.dma_semaphore, #tpu.memory_space<semaphore_mem>>
      %dma_wait3A_423 = tpu.memref_squeeze %dma_wait3A_422 : memref<1x!tpu.dma_semaphore, #tpu.memory_space<semaphore_mem>> -> memref<!tpu.dma_semaphore, #tpu.memory_space<semaphore_mem>>
      %dma_wait3A_424 = arith.constant 1920 : i32
      %dma_wait3A_425 = arith.constant 0 : i32
      %dma_wait3A_426 = tpu.memref_slice %arg3[%sub3A_417, %dma_wait3A_424, %dma_wait3A_425] : memref<16x2048x2048xf32, #tpu.memory_space<any>> -> memref<1x128x2048xf32, #tpu.memory_space<any>>
      %dma_wait3A_427 = tpu.memref_squeeze %dma_wait3A_426 : memref<1x128x2048xf32, #tpu.memory_space<any>> -> memref<128x2048xf32, #tpu.memory_space<any>>
      %dma_wait3A_428 = arith.constant 0 : i32
      %dma_wait3A_429 = arith.constant 128 : i32
      %dma_wait3A_430 = tpu.memref_slice %arg5[%rem3A_421, %dma_wait3A_428, %dma_wait3A_429] : memref<3x128x4096xf32, #tpu.memory_space<vmem>> -> memref<1x128x2048xf32, #tpu.memory_space<vmem>>
      %dma_wait3A_431 = tpu.memref_squeeze %dma_wait3A_430 : memref<1x128x2048xf32, #tpu.memory_space<vmem>> -> memref<128x2048xf32, #tpu.memory_space<vmem>>
      tpu.wait_dma2 semaphore(%dma_wait3A_423 : memref<!tpu.dma_semaphore, #tpu.memory_space<semaphore_mem>>) src(%dma_wait3A_431 : memref<128x2048xf32, #tpu.memory_space<vmem>>) dst(%dma_wait3A_427 : memref<128x2048xf32, #tpu.memory_space<any>>)
      %dma_wait3A_432 = tpu.memref_slice %arg6[%rem3A_0] : memref<3x!tpu.dma_semaphore, #tpu.memory_space<semaphore_mem>> -> memref<1x!tpu.dma_semaphore, #tpu.memory_space<semaphore_mem>>
      %dma_wait3A_433 = tpu.memref_squeeze %dma_wait3A_432 : memref<1x!tpu.dma_semaphore, #tpu.memory_space<semaphore_mem>> -> memref<!tpu.dma_semaphore, #tpu.memory_space<semaphore_mem>>
      %dma_wait3A_434 = arith.constant 0 : i32
      %dma_wait3A_435 = arith.constant 0 : i32
      %dma_wait3A_436 = tpu.memref_slice %arg3[%arg0, %dma_wait3A_434, %dma_wait3A_435] : memref<16x2048x2048xf32, #tpu.memory_space<any>> -> memref<1x128x2048xf32, #tpu.memory_space<any>>
      %dma_wait3A_437 = tpu.memref_squeeze %dma_wait3A_436 : memref<1x128x2048xf32, #tpu.memory_space<any>> -> memref<128x2048xf32, #tpu.memory_space<any>>
      %dma_wait3A_438 = arith.constant 0 : i32
      %dma_wait3A_439 = arith.constant 2048 : i32
      %dma_wait3A_440 = tpu.memref_slice %arg5[%rem3A_0, %dma_wait3A_438, %dma_wait3A_439] : memref<3x128x4096xf32, #tpu.memory_space<vmem>> -> memref<1x128x2048xf32, #tpu.memory_space<vmem>>
      %dma_wait3A_441 = tpu.memref_squeeze %dma_wait3A_440 : memref<1x128x2048xf32, #tpu.memory_space<vmem>> -> memref<128x2048xf32, #tpu.memory_space<vmem>>
      tpu.wait_dma2 semaphore(%dma_wait3A_433 : memref<!tpu.dma_semaphore, #tpu.memory_space<semaphore_mem>>) src(%dma_wait3A_441 : memref<128x2048xf32, #tpu.memory_space<vmem>>) dst(%dma_wait3A_437 : memref<128x2048xf32, #tpu.memory_space<any>>)
      %dma_wait3A_442 = tpu.memref_slice %arg6[%rem3A_0] : memref<3x!tpu.dma_semaphore, #tpu.memory_space<semaphore_mem>> -> memref<1x!tpu.dma_semaphore, #tpu.memory_space<semaphore_mem>>
      %dma_wait3A_443 = tpu.memref_squeeze %dma_wait3A_442 : memref<1x!tpu.dma_semaphore, #tpu.memory_space<semaphore_mem>> -> memref<!tpu.dma_semaphore, #tpu.memory_space<semaphore_mem>>
      %dma_wait3A_444 = arith.constant 128 : i32
      %dma_wait3A_445 = arith.constant 0 : i32
      %dma_wait3A_446 = tpu.memref_slice %arg3[%arg0, %dma_wait3A_444, %dma_wait3A_445] : memref<16x2048x2048xf32, #tpu.memory_space<any>> -> memref<1x128x2048xf32, #tpu.memory_space<any>>
      %dma_wait3A_447 = tpu.memref_squeeze %dma_wait3A_446 : memref<1x128x2048xf32, #tpu.memory_space<any>> -> memref<128x2048xf32, #tpu.memory_space<any>>
      %dma_wait3A_448 = arith.constant 0 : i32
      %dma_wait3A_449 = arith.constant 1920 : i32
      %dma_wait3A_450 = tpu.memref_slice %arg5[%rem3A_0, %dma_wait3A_448, %dma_wait3A_449] : memref<3x128x4096xf32, #tpu.memory_space<vmem>> -> memref<1x128x2048xf32, #tpu.memory_space<vmem>>
      %dma_wait3A_451 = tpu.memref_squeeze %dma_wait3A_450 : memref<1x128x2048xf32, #tpu.memory_space<vmem>> -> memref<128x2048xf32, #tpu.memory_space<vmem>>
      tpu.wait_dma2 semaphore(%dma_wait3A_443 : memref<!tpu.dma_semaphore, #tpu.memory_space<semaphore_mem>>) src(%dma_wait3A_451 : memref<128x2048xf32, #tpu.memory_space<vmem>>) dst(%dma_wait3A_447 : memref<128x2048xf32, #tpu.memory_space<any>>)
      %dma_wait3A_452 = tpu.memref_slice %arg6[%rem3A_0] : memref<3x!tpu.dma_semaphore, #tpu.memory_space<semaphore_mem>> -> memref<1x!tpu.dma_semaphore, #tpu.memory_space<semaphore_mem>>
      %dma_wait3A_453 = tpu.memref_squeeze %dma_wait3A_452 : memref<1x!tpu.dma_semaphore, #tpu.memory_space<semaphore_mem>> -> memref<!tpu.dma_semaphore, #tpu.memory_space<semaphore_mem>>
      %dma_wait3A_454 = arith.constant 256 : i32
      %dma_wait3A_455 = arith.constant 0 : i32
      %dma_wait3A_456 = tpu.memref_slice %arg3[%arg0, %dma_wait3A_454, %dma_wait3A_455] : memref<16x2048x2048xf32, #tpu.memory_space<any>> -> memref<1x128x2048xf32, #tpu.memory_space<any>>
      %dma_wait3A_457 = tpu.memref_squeeze %dma_wait3A_456 : memref<1x128x2048xf32, #tpu.memory_space<any>> -> memref<128x2048xf32, #tpu.memory_space<any>>
      %dma_wait3A_458 = arith.constant 0 : i32
      %dma_wait3A_459 = arith.constant 1792 : i32
      %dma_wait3A_460 = tpu.memref_slice %arg5[%rem3A_0, %dma_wait3A_458, %dma_wait3A_459] : memref<3x128x4096xf32, #tpu.memory_space<vmem>> -> memref<1x128x2048xf32, #tpu.memory_space<vmem>>
      %dma_wait3A_461 = tpu.memref_squeeze %dma_wait3A_460 : memref<1x128x2048xf32, #tpu.memory_space<vmem>> -> memref<128x2048xf32, #tpu.memory_space<vmem>>
      tpu.wait_dma2 semaphore(%dma_wait3A_453 : memref<!tpu.dma_semaphore, #tpu.memory_space<semaphore_mem>>) src(%dma_wait3A_461 : memref<128x2048xf32, #tpu.memory_space<vmem>>) dst(%dma_wait3A_457 : memref<128x2048xf32, #tpu.memory_space<any>>)
      %dma_wait3A_462 = tpu.memref_slice %arg6[%rem3A_0] : memref<3x!tpu.dma_semaphore, #tpu.memory_space<semaphore_mem>> -> memref<1x!tpu.dma_semaphore, #tpu.memory_space<semaphore_mem>>
      %dma_wait3A_463 = tpu.memref_squeeze %dma_wait3A_462 : memref<1x!tpu.dma_semaphore, #tpu.memory_space<semaphore_mem>> -> memref<!tpu.dma_semaphore, #tpu.memory_space<semaphore_mem>>
      %dma_wait3A_464 = arith.constant 384 : i32
      %dma_wait3A_465 = arith.constant 0 : i32
      %dma_wait3A_466 = tpu.memref_slice %arg3[%arg0, %dma_wait3A_464, %dma_wait3A_465] : memref<16x2048x2048xf32, #tpu.memory_space<any>> -> memref<1x128x2048xf32, #tpu.memory_space<any>>
      %dma_wait3A_467 = tpu.memref_squeeze %dma_wait3A_466 : memref<1x128x2048xf32, #tpu.memory_space<any>> -> memref<128x2048xf32, #tpu.memory_space<any>>
      %dma_wait3A_468 = arith.constant 0 : i32
      %dma_wait3A_469 = arith.constant 1664 : i32
      %dma_wait3A_470 = tpu.memref_slice %arg5[%rem3A_0, %dma_wait3A_468, %dma_wait3A_469] : memref<3x128x4096xf32, #tpu.memory_space<vmem>> -> memref<1x128x2048xf32, #tpu.memory_space<vmem>>
      %dma_wait3A_471 = tpu.memref_squeeze %dma_wait3A_470 : memref<1x128x2048xf32, #tpu.memory_space<vmem>> -> memref<128x2048xf32, #tpu.memory_space<vmem>>
      tpu.wait_dma2 semaphore(%dma_wait3A_463 : memref<!tpu.dma_semaphore, #tpu.memory_space<semaphore_mem>>) src(%dma_wait3A_471 : memref<128x2048xf32, #tpu.memory_space<vmem>>) dst(%dma_wait3A_467 : memref<128x2048xf32, #tpu.memory_space<any>>)
      %dma_wait3A_472 = tpu.memref_slice %arg6[%rem3A_0] : memref<3x!tpu.dma_semaphore, #tpu.memory_space<semaphore_mem>> -> memref<1x!tpu.dma_semaphore, #tpu.memory_space<semaphore_mem>>
      %dma_wait3A_473 = tpu.memref_squeeze %dma_wait3A_472 : memref<1x!tpu.dma_semaphore, #tpu.memory_space<semaphore_mem>> -> memref<!tpu.dma_semaphore, #tpu.memory_space<semaphore_mem>>
      %dma_wait3A_474 = arith.constant 512 : i32
      %dma_wait3A_475 = arith.constant 0 : i32
      %dma_wait3A_476 = tpu.memref_slice %arg3[%arg0, %dma_wait3A_474, %dma_wait3A_475] : memref<16x2048x2048xf32, #tpu.memory_space<any>> -> memref<1x128x2048xf32, #tpu.memory_space<any>>
      %dma_wait3A_477 = tpu.memref_squeeze %dma_wait3A_476 : memref<1x128x2048xf32, #tpu.memory_space<any>> -> memref<128x2048xf32, #tpu.memory_space<any>>
      %dma_wait3A_478 = arith.constant 0 : i32
      %dma_wait3A_479 = arith.constant 1536 : i32
      %dma_wait3A_480 = tpu.memref_slice %arg5[%rem3A_0, %dma_wait3A_478, %dma_wait3A_479] : memref<3x128x4096xf32, #tpu.memory_space<vmem>> -> memref<1x128x2048xf32, #tpu.memory_space<vmem>>
      %dma_wait3A_481 = tpu.memref_squeeze %dma_wait3A_480 : memref<1x128x2048xf32, #tpu.memory_space<vmem>> -> memref<128x2048xf32, #tpu.memory_space<vmem>>
      tpu.wait_dma2 semaphore(%dma_wait3A_473 : memref<!tpu.dma_semaphore, #tpu.memory_space<semaphore_mem>>) src(%dma_wait3A_481 : memref<128x2048xf32, #tpu.memory_space<vmem>>) dst(%dma_wait3A_477 : memref<128x2048xf32, #tpu.memory_space<any>>)
      %dma_wait3A_482 = tpu.memref_slice %arg6[%rem3A_0] : memref<3x!tpu.dma_semaphore, #tpu.memory_space<semaphore_mem>> -> memref<1x!tpu.dma_semaphore, #tpu.memory_space<semaphore_mem>>
      %dma_wait3A_483 = tpu.memref_squeeze %dma_wait3A_482 : memref<1x!tpu.dma_semaphore, #tpu.memory_space<semaphore_mem>> -> memref<!tpu.dma_semaphore, #tpu.memory_space<semaphore_mem>>
      %dma_wait3A_484 = arith.constant 640 : i32
      %dma_wait3A_485 = arith.constant 0 : i32
      %dma_wait3A_486 = tpu.memref_slice %arg3[%arg0, %dma_wait3A_484, %dma_wait3A_485] : memref<16x2048x2048xf32, #tpu.memory_space<any>> -> memref<1x128x2048xf32, #tpu.memory_space<any>>
      %dma_wait3A_487 = tpu.memref_squeeze %dma_wait3A_486 : memref<1x128x2048xf32, #tpu.memory_space<any>> -> memref<128x2048xf32, #tpu.memory_space<any>>
      %dma_wait3A_488 = arith.constant 0 : i32
      %dma_wait3A_489 = arith.constant 1408 : i32
      %dma_wait3A_490 = tpu.memref_slice %arg5[%rem3A_0, %dma_wait3A_488, %dma_wait3A_489] : memref<3x128x4096xf32, #tpu.memory_space<vmem>> -> memref<1x128x2048xf32, #tpu.memory_space<vmem>>
      %dma_wait3A_491 = tpu.memref_squeeze %dma_wait3A_490 : memref<1x128x2048xf32, #tpu.memory_space<vmem>> -> memref<128x2048xf32, #tpu.memory_space<vmem>>
      tpu.wait_dma2 semaphore(%dma_wait3A_483 : memref<!tpu.dma_semaphore, #tpu.memory_space<semaphore_mem>>) src(%dma_wait3A_491 : memref<128x2048xf32, #tpu.memory_space<vmem>>) dst(%dma_wait3A_487 : memref<128x2048xf32, #tpu.memory_space<any>>)
      %dma_wait3A_492 = tpu.memref_slice %arg6[%rem3A_0] : memref<3x!tpu.dma_semaphore, #tpu.memory_space<semaphore_mem>> -> memref<1x!tpu.dma_semaphore, #tpu.memory_space<semaphore_mem>>
      %dma_wait3A_493 = tpu.memref_squeeze %dma_wait3A_492 : memref<1x!tpu.dma_semaphore, #tpu.memory_space<semaphore_mem>> -> memref<!tpu.dma_semaphore, #tpu.memory_space<semaphore_mem>>
      %dma_wait3A_494 = arith.constant 768 : i32
      %dma_wait3A_495 = arith.constant 0 : i32
      %dma_wait3A_496 = tpu.memref_slice %arg3[%arg0, %dma_wait3A_494, %dma_wait3A_495] : memref<16x2048x2048xf32, #tpu.memory_space<any>> -> memref<1x128x2048xf32, #tpu.memory_space<any>>
      %dma_wait3A_497 = tpu.memref_squeeze %dma_wait3A_496 : memref<1x128x2048xf32, #tpu.memory_space<any>> -> memref<128x2048xf32, #tpu.memory_space<any>>
      %dma_wait3A_498 = arith.constant 0 : i32
      %dma_wait3A_499 = arith.constant 1280 : i32
      %dma_wait3A_500 = tpu.memref_slice %arg5[%rem3A_0, %dma_wait3A_498, %dma_wait3A_499] : memref<3x128x4096xf32, #tpu.memory_space<vmem>> -> memref<1x128x2048xf32, #tpu.memory_space<vmem>>
      %dma_wait3A_501 = tpu.memref_squeeze %dma_wait3A_500 : memref<1x128x2048xf32, #tpu.memory_space<vmem>> -> memref<128x2048xf32, #tpu.memory_space<vmem>>
      tpu.wait_dma2 semaphore(%dma_wait3A_493 : memref<!tpu.dma_semaphore, #tpu.memory_space<semaphore_mem>>) src(%dma_wait3A_501 : memref<128x2048xf32, #tpu.memory_space<vmem>>) dst(%dma_wait3A_497 : memref<128x2048xf32, #tpu.memory_space<any>>)
      %dma_wait3A_502 = tpu.memref_slice %arg6[%rem3A_0] : memref<3x!tpu.dma_semaphore, #tpu.memory_space<semaphore_mem>> -> memref<1x!tpu.dma_semaphore, #tpu.memory_space<semaphore_mem>>
      %dma_wait3A_503 = tpu.memref_squeeze %dma_wait3A_502 : memref<1x!tpu.dma_semaphore, #tpu.memory_space<semaphore_mem>> -> memref<!tpu.dma_semaphore, #tpu.memory_space<semaphore_mem>>
      %dma_wait3A_504 = arith.constant 896 : i32
      %dma_wait3A_505 = arith.constant 0 : i32
      %dma_wait3A_506 = tpu.memref_slice %arg3[%arg0, %dma_wait3A_504, %dma_wait3A_505] : memref<16x2048x2048xf32, #tpu.memory_space<any>> -> memref<1x128x2048xf32, #tpu.memory_space<any>>
      %dma_wait3A_507 = tpu.memref_squeeze %dma_wait3A_506 : memref<1x128x2048xf32, #tpu.memory_space<any>> -> memref<128x2048xf32, #tpu.memory_space<any>>
      %dma_wait3A_508 = arith.constant 0 : i32
      %dma_wait3A_509 = arith.constant 1152 : i32
      %dma_wait3A_510 = tpu.memref_slice %arg5[%rem3A_0, %dma_wait3A_508, %dma_wait3A_509] : memref<3x128x4096xf32, #tpu.memory_space<vmem>> -> memref<1x128x2048xf32, #tpu.memory_space<vmem>>
      %dma_wait3A_511 = tpu.memref_squeeze %dma_wait3A_510 : memref<1x128x2048xf32, #tpu.memory_space<vmem>> -> memref<128x2048xf32, #tpu.memory_space<vmem>>
      tpu.wait_dma2 semaphore(%dma_wait3A_503 : memref<!tpu.dma_semaphore, #tpu.memory_space<semaphore_mem>>) src(%dma_wait3A_511 : memref<128x2048xf32, #tpu.memory_space<vmem>>) dst(%dma_wait3A_507 : memref<128x2048xf32, #tpu.memory_space<any>>)
      %dma_wait3A_512 = tpu.memref_slice %arg6[%rem3A_0] : memref<3x!tpu.dma_semaphore, #tpu.memory_space<semaphore_mem>> -> memref<1x!tpu.dma_semaphore, #tpu.memory_space<semaphore_mem>>
      %dma_wait3A_513 = tpu.memref_squeeze %dma_wait3A_512 : memref<1x!tpu.dma_semaphore, #tpu.memory_space<semaphore_mem>> -> memref<!tpu.dma_semaphore, #tpu.memory_space<semaphore_mem>>
      %dma_wait3A_514 = arith.constant 1024 : i32
      %dma_wait3A_515 = arith.constant 0 : i32
      %dma_wait3A_516 = tpu.memref_slice %arg3[%arg0, %dma_wait3A_514, %dma_wait3A_515] : memref<16x2048x2048xf32, #tpu.memory_space<any>> -> memref<1x128x2048xf32, #tpu.memory_space<any>>
      %dma_wait3A_517 = tpu.memref_squeeze %dma_wait3A_516 : memref<1x128x2048xf32, #tpu.memory_space<any>> -> memref<128x2048xf32, #tpu.memory_space<any>>
      %dma_wait3A_518 = arith.constant 0 : i32
      %dma_wait3A_519 = arith.constant 1024 : i32
      %dma_wait3A_520 = tpu.memref_slice %arg5[%rem3A_0, %dma_wait3A_518, %dma_wait3A_519] : memref<3x128x4096xf32, #tpu.memory_space<vmem>> -> memref<1x128x2048xf32, #tpu.memory_space<vmem>>
      %dma_wait3A_521 = tpu.memref_squeeze %dma_wait3A_520 : memref<1x128x2048xf32, #tpu.memory_space<vmem>> -> memref<128x2048xf32, #tpu.memory_space<vmem>>
      tpu.wait_dma2 semaphore(%dma_wait3A_513 : memref<!tpu.dma_semaphore, #tpu.memory_space<semaphore_mem>>) src(%dma_wait3A_521 : memref<128x2048xf32, #tpu.memory_space<vmem>>) dst(%dma_wait3A_517 : memref<128x2048xf32, #tpu.memory_space<any>>)
      %dma_wait3A_522 = tpu.memref_slice %arg6[%rem3A_0] : memref<3x!tpu.dma_semaphore, #tpu.memory_space<semaphore_mem>> -> memref<1x!tpu.dma_semaphore, #tpu.memory_space<semaphore_mem>>
      %dma_wait3A_523 = tpu.memref_squeeze %dma_wait3A_522 : memref<1x!tpu.dma_semaphore, #tpu.memory_space<semaphore_mem>> -> memref<!tpu.dma_semaphore, #tpu.memory_space<semaphore_mem>>
      %dma_wait3A_524 = arith.constant 1152 : i32
      %dma_wait3A_525 = arith.constant 0 : i32
      %dma_wait3A_526 = tpu.memref_slice %arg3[%arg0, %dma_wait3A_524, %dma_wait3A_525] : memref<16x2048x2048xf32, #tpu.memory_space<any>> -> memref<1x128x2048xf32, #tpu.memory_space<any>>
      %dma_wait3A_527 = tpu.memref_squeeze %dma_wait3A_526 : memref<1x128x2048xf32, #tpu.memory_space<any>> -> memref<128x2048xf32, #tpu.memory_space<any>>
      %dma_wait3A_528 = arith.constant 0 : i32
      %dma_wait3A_529 = arith.constant 896 : i32
      %dma_wait3A_530 = tpu.memref_slice %arg5[%rem3A_0, %dma_wait3A_528, %dma_wait3A_529] : memref<3x128x4096xf32, #tpu.memory_space<vmem>> -> memref<1x128x2048xf32, #tpu.memory_space<vmem>>
      %dma_wait3A_531 = tpu.memref_squeeze %dma_wait3A_530 : memref<1x128x2048xf32, #tpu.memory_space<vmem>> -> memref<128x2048xf32, #tpu.memory_space<vmem>>
      tpu.wait_dma2 semaphore(%dma_wait3A_523 : memref<!tpu.dma_semaphore, #tpu.memory_space<semaphore_mem>>) src(%dma_wait3A_531 : memref<128x2048xf32, #tpu.memory_space<vmem>>) dst(%dma_wait3A_527 : memref<128x2048xf32, #tpu.memory_space<any>>)
      %dma_wait3A_532 = tpu.memref_slice %arg6[%rem3A_0] : memref<3x!tpu.dma_semaphore, #tpu.memory_space<semaphore_mem>> -> memref<1x!tpu.dma_semaphore, #tpu.memory_space<semaphore_mem>>
      %dma_wait3A_533 = tpu.memref_squeeze %dma_wait3A_532 : memref<1x!tpu.dma_semaphore, #tpu.memory_space<semaphore_mem>> -> memref<!tpu.dma_semaphore, #tpu.memory_space<semaphore_mem>>
      %dma_wait3A_534 = arith.constant 1280 : i32
      %dma_wait3A_535 = arith.constant 0 : i32
      %dma_wait3A_536 = tpu.memref_slice %arg3[%arg0, %dma_wait3A_534, %dma_wait3A_535] : memref<16x2048x2048xf32, #tpu.memory_space<any>> -> memref<1x128x2048xf32, #tpu.memory_space<any>>
      %dma_wait3A_537 = tpu.memref_squeeze %dma_wait3A_536 : memref<1x128x2048xf32, #tpu.memory_space<any>> -> memref<128x2048xf32, #tpu.memory_space<any>>
      %dma_wait3A_538 = arith.constant 0 : i32
      %dma_wait3A_539 = arith.constant 768 : i32
      %dma_wait3A_540 = tpu.memref_slice %arg5[%rem3A_0, %dma_wait3A_538, %dma_wait3A_539] : memref<3x128x4096xf32, #tpu.memory_space<vmem>> -> memref<1x128x2048xf32, #tpu.memory_space<vmem>>
      %dma_wait3A_541 = tpu.memref_squeeze %dma_wait3A_540 : memref<1x128x2048xf32, #tpu.memory_space<vmem>> -> memref<128x2048xf32, #tpu.memory_space<vmem>>
      tpu.wait_dma2 semaphore(%dma_wait3A_533 : memref<!tpu.dma_semaphore, #tpu.memory_space<semaphore_mem>>) src(%dma_wait3A_541 : memref<128x2048xf32, #tpu.memory_space<vmem>>) dst(%dma_wait3A_537 : memref<128x2048xf32, #tpu.memory_space<any>>)
      %dma_wait3A_542 = tpu.memref_slice %arg6[%rem3A_0] : memref<3x!tpu.dma_semaphore, #tpu.memory_space<semaphore_mem>> -> memref<1x!tpu.dma_semaphore, #tpu.memory_space<semaphore_mem>>
      %dma_wait3A_543 = tpu.memref_squeeze %dma_wait3A_542 : memref<1x!tpu.dma_semaphore, #tpu.memory_space<semaphore_mem>> -> memref<!tpu.dma_semaphore, #tpu.memory_space<semaphore_mem>>
      %dma_wait3A_544 = arith.constant 1408 : i32
      %dma_wait3A_545 = arith.constant 0 : i32
      %dma_wait3A_546 = tpu.memref_slice %arg3[%arg0, %dma_wait3A_544, %dma_wait3A_545] : memref<16x2048x2048xf32, #tpu.memory_space<any>> -> memref<1x128x2048xf32, #tpu.memory_space<any>>
      %dma_wait3A_547 = tpu.memref_squeeze %dma_wait3A_546 : memref<1x128x2048xf32, #tpu.memory_space<any>> -> memref<128x2048xf32, #tpu.memory_space<any>>
      %dma_wait3A_548 = arith.constant 0 : i32
      %dma_wait3A_549 = arith.constant 640 : i32
      %dma_wait3A_550 = tpu.memref_slice %arg5[%rem3A_0, %dma_wait3A_548, %dma_wait3A_549] : memref<3x128x4096xf32, #tpu.memory_space<vmem>> -> memref<1x128x2048xf32, #tpu.memory_space<vmem>>
      %dma_wait3A_551 = tpu.memref_squeeze %dma_wait3A_550 : memref<1x128x2048xf32, #tpu.memory_space<vmem>> -> memref<128x2048xf32, #tpu.memory_space<vmem>>
      tpu.wait_dma2 semaphore(%dma_wait3A_543 : memref<!tpu.dma_semaphore, #tpu.memory_space<semaphore_mem>>) src(%dma_wait3A_551 : memref<128x2048xf32, #tpu.memory_space<vmem>>) dst(%dma_wait3A_547 : memref<128x2048xf32, #tpu.memory_space<any>>)
      %dma_wait3A_552 = tpu.memref_slice %arg6[%rem3A_0] : memref<3x!tpu.dma_semaphore, #tpu.memory_space<semaphore_mem>> -> memref<1x!tpu.dma_semaphore, #tpu.memory_space<semaphore_mem>>
      %dma_wait3A_553 = tpu.memref_squeeze %dma_wait3A_552 : memref<1x!tpu.dma_semaphore, #tpu.memory_space<semaphore_mem>> -> memref<!tpu.dma_semaphore, #tpu.memory_space<semaphore_mem>>
      %dma_wait3A_554 = arith.constant 1536 : i32
      %dma_wait3A_555 = arith.constant 0 : i32
      %dma_wait3A_556 = tpu.memref_slice %arg3[%arg0, %dma_wait3A_554, %dma_wait3A_555] : memref<16x2048x2048xf32, #tpu.memory_space<any>> -> memref<1x128x2048xf32, #tpu.memory_space<any>>
      %dma_wait3A_557 = tpu.memref_squeeze %dma_wait3A_556 : memref<1x128x2048xf32, #tpu.memory_space<any>> -> memref<128x2048xf32, #tpu.memory_space<any>>
      %dma_wait3A_558 = arith.constant 0 : i32
      %dma_wait3A_559 = arith.constant 512 : i32
      %dma_wait3A_560 = tpu.memref_slice %arg5[%rem3A_0, %dma_wait3A_558, %dma_wait3A_559] : memref<3x128x4096xf32, #tpu.memory_space<vmem>> -> memref<1x128x2048xf32, #tpu.memory_space<vmem>>
      %dma_wait3A_561 = tpu.memref_squeeze %dma_wait3A_560 : memref<1x128x2048xf32, #tpu.memory_space<vmem>> -> memref<128x2048xf32, #tpu.memory_space<vmem>>
      tpu.wait_dma2 semaphore(%dma_wait3A_553 : memref<!tpu.dma_semaphore, #tpu.memory_space<semaphore_mem>>) src(%dma_wait3A_561 : memref<128x2048xf32, #tpu.memory_space<vmem>>) dst(%dma_wait3A_557 : memref<128x2048xf32, #tpu.memory_space<any>>)
      %dma_wait3A_562 = tpu.memref_slice %arg6[%rem3A_0] : memref<3x!tpu.dma_semaphore, #tpu.memory_space<semaphore_mem>> -> memref<1x!tpu.dma_semaphore, #tpu.memory_space<semaphore_mem>>
      %dma_wait3A_563 = tpu.memref_squeeze %dma_wait3A_562 : memref<1x!tpu.dma_semaphore, #tpu.memory_space<semaphore_mem>> -> memref<!tpu.dma_semaphore, #tpu.memory_space<semaphore_mem>>
      %dma_wait3A_564 = arith.constant 1664 : i32
      %dma_wait3A_565 = arith.constant 0 : i32
      %dma_wait3A_566 = tpu.memref_slice %arg3[%arg0, %dma_wait3A_564, %dma_wait3A_565] : memref<16x2048x2048xf32, #tpu.memory_space<any>> -> memref<1x128x2048xf32, #tpu.memory_space<any>>
      %dma_wait3A_567 = tpu.memref_squeeze %dma_wait3A_566 : memref<1x128x2048xf32, #tpu.memory_space<any>> -> memref<128x2048xf32, #tpu.memory_space<any>>
      %dma_wait3A_568 = arith.constant 0 : i32
      %dma_wait3A_569 = arith.constant 384 : i32
      %dma_wait3A_570 = tpu.memref_slice %arg5[%rem3A_0, %dma_wait3A_568, %dma_wait3A_569] : memref<3x128x4096xf32, #tpu.memory_space<vmem>> -> memref<1x128x2048xf32, #tpu.memory_space<vmem>>
      %dma_wait3A_571 = tpu.memref_squeeze %dma_wait3A_570 : memref<1x128x2048xf32, #tpu.memory_space<vmem>> -> memref<128x2048xf32, #tpu.memory_space<vmem>>
      tpu.wait_dma2 semaphore(%dma_wait3A_563 : memref<!tpu.dma_semaphore, #tpu.memory_space<semaphore_mem>>) src(%dma_wait3A_571 : memref<128x2048xf32, #tpu.memory_space<vmem>>) dst(%dma_wait3A_567 : memref<128x2048xf32, #tpu.memory_space<any>>)
      %dma_wait3A_572 = tpu.memref_slice %arg6[%rem3A_0] : memref<3x!tpu.dma_semaphore, #tpu.memory_space<semaphore_mem>> -> memref<1x!tpu.dma_semaphore, #tpu.memory_space<semaphore_mem>>
      %dma_wait3A_573 = tpu.memref_squeeze %dma_wait3A_572 : memref<1x!tpu.dma_semaphore, #tpu.memory_space<semaphore_mem>> -> memref<!tpu.dma_semaphore, #tpu.memory_space<semaphore_mem>>
      %dma_wait3A_574 = arith.constant 1792 : i32
      %dma_wait3A_575 = arith.constant 0 : i32
      %dma_wait3A_576 = tpu.memref_slice %arg3[%arg0, %dma_wait3A_574, %dma_wait3A_575] : memref<16x2048x2048xf32, #tpu.memory_space<any>> -> memref<1x128x2048xf32, #tpu.memory_space<any>>
      %dma_wait3A_577 = tpu.memref_squeeze %dma_wait3A_576 : memref<1x128x2048xf32, #tpu.memory_space<any>> -> memref<128x2048xf32, #tpu.memory_space<any>>
      %dma_wait3A_578 = arith.constant 0 : i32
      %dma_wait3A_579 = arith.constant 256 : i32
      %dma_wait3A_580 = tpu.memref_slice %arg5[%rem3A_0, %dma_wait3A_578, %dma_wait3A_579] : memref<3x128x4096xf32, #tpu.memory_space<vmem>> -> memref<1x128x2048xf32, #tpu.memory_space<vmem>>
      %dma_wait3A_581 = tpu.memref_squeeze %dma_wait3A_580 : memref<1x128x2048xf32, #tpu.memory_space<vmem>> -> memref<128x2048xf32, #tpu.memory_space<vmem>>
      tpu.wait_dma2 semaphore(%dma_wait3A_573 : memref<!tpu.dma_semaphore, #tpu.memory_space<semaphore_mem>>) src(%dma_wait3A_581 : memref<128x2048xf32, #tpu.memory_space<vmem>>) dst(%dma_wait3A_577 : memref<128x2048xf32, #tpu.memory_space<any>>)
      %dma_wait3A_582 = tpu.memref_slice %arg6[%rem3A_0] : memref<3x!tpu.dma_semaphore, #tpu.memory_space<semaphore_mem>> -> memref<1x!tpu.dma_semaphore, #tpu.memory_space<semaphore_mem>>
      %dma_wait3A_583 = tpu.memref_squeeze %dma_wait3A_582 : memref<1x!tpu.dma_semaphore, #tpu.memory_space<semaphore_mem>> -> memref<!tpu.dma_semaphore, #tpu.memory_space<semaphore_mem>>
      %dma_wait3A_584 = arith.constant 1920 : i32
      %dma_wait3A_585 = arith.constant 0 : i32
      %dma_wait3A_586 = tpu.memref_slice %arg3[%arg0, %dma_wait3A_584, %dma_wait3A_585] : memref<16x2048x2048xf32, #tpu.memory_space<any>> -> memref<1x128x2048xf32, #tpu.memory_space<any>>
      %dma_wait3A_587 = tpu.memref_squeeze %dma_wait3A_586 : memref<1x128x2048xf32, #tpu.memory_space<any>> -> memref<128x2048xf32, #tpu.memory_space<any>>
      %dma_wait3A_588 = arith.constant 0 : i32
      %dma_wait3A_589 = arith.constant 128 : i32
      %dma_wait3A_590 = tpu.memref_slice %arg5[%rem3A_0, %dma_wait3A_588, %dma_wait3A_589] : memref<3x128x4096xf32, #tpu.memory_space<vmem>> -> memref<1x128x2048xf32, #tpu.memory_space<vmem>>
      %dma_wait3A_591 = tpu.memref_squeeze %dma_wait3A_590 : memref<1x128x2048xf32, #tpu.memory_space<vmem>> -> memref<128x2048xf32, #tpu.memory_space<vmem>>
      tpu.wait_dma2 semaphore(%dma_wait3A_583 : memref<!tpu.dma_semaphore, #tpu.memory_space<semaphore_mem>>) src(%dma_wait3A_591 : memref<128x2048xf32, #tpu.memory_space<vmem>>) dst(%dma_wait3A_587 : memref<128x2048xf32, #tpu.memory_space<any>>)
    } else {
    }
    return
  }
  func.func @transform_0(%arg0: i32) -> (i32, i32, i32) {
    %c0_i32 = arith.constant 0 : i32
    %c0_i32_0 = arith.constant 0 : i32
    %c0_i32_1 = arith.constant 0 : i32
    return %arg0, %c0_i32, %c0_i32_0 : i32, i32, i32
  }
  func.func @transform_1(%arg0: i32) -> (i32, i32, i32) {
    %add3A = arith.constant 1 : i32
    %add3A_0 = arith.addi %arg0, %add3A : i32
    %min3A = arith.constant 15 : i32
    %min3A_1 = arith.minsi %add3A_0, %min3A : i32
    %c0_i32 = arith.constant 0 : i32
    %c0_i32_2 = arith.constant 0 : i32
    %c0_i32_3 = arith.constant 0 : i32
    return %min3A_1, %c0_i32, %c0_i32_2 : i32, i32, i32
  }
}

</mosaic_0001>

<sc_bundles>
// kernel: kernel.4.cloned.1.call-start
scs
__scs_entry_jumppad:
0x0: {  	(pc) =	sbr.rel $0x88, $3  }
0x1: {  	(tag) =	ssettag $0x0;
	lr =	simm.s32 $0x1  }
0x2: {  	[smem:$0x3FA0] =	sst lr;
	_ =	strace $0xD0000000  }
0x3: {  	_ = 	snop  }
0x4: {  	_ = 	snop  }
0x5: {  	_ = 	snop  }
0x6: {  	_ = 	snop  }
0x7: {  	_ = 	snop  }
__scs_overlays_trampoline_lowered:
0x8: {  	[smem:$0x3FAF] =	sst s0  }
0x9: {  	[smem:$0x3FB0] =	sst s1  }
0xa: {  	[smem:$0x3FB1] =	sst s2  }
0xb: {  	[smem:$0x3FB2] =	sst s3  }
0xc: {  	[smem:$0x3FB3] =	sst s4  }
0xd: {  	[smem:$0x3FB4] =	sst s5  }
0xe: {  	[smem:$0x3FB5] =	sst s6  }
0xf: {  	[smem:$0x3FB6] =	sst s7  }
0x10: {  	[smem:$0x3FB7] =	sst s8  }
0x11: {  	[smem:$0x3FB8] =	sst s9;
	s0 =	simm.s32 @!p0 $0x0  }
0x12: {  	s1 =	sld [smem:$0x3F9E];
	s0 =	simm.s32 @p0 $0x1  }
0x13: {  	[smem:$0x3FB9] =	sst s0;
	s0 =	simm.s32 @!p1 $0x0  }
0x14: {  	s2 =	sld [smem:$0x3F9D];
	s0 =	simm.s32 @p1 $0x1  }
0x15: {  	[smem:$0x3FBA] =	sst s0;
	s0 =	simm.s32 @!p2 $0x0  }
0x16: {  	s3 =	sld [smem:$0x3FDB];
	s0 =	simm.s32 @p2 $0x1  }
0x17: {  	s4 =	simm.s32 $0x1BF5;
	[smem:$0x3FBC] =	sst s0  }
0x18: {  	s0 =	sld [smem:$0x3F9F];
	_ =	swait.ge [sflag:s4], $0x0  }
0x19: {  	s7 =	sld [smem:$0x3FA0]  }
0x1a: {  	s8 =	sadd.s32 $0xFFFFE003, lr  }
0x1b: {  	s9 =	sadd.s32 $0xFFFFFEF7, lr;
	s5 =	simm.s32 $0xFFFFFFFF;
	p2 =	slt.u32 s8, $0xFFFFF086  }
0x1c: {  	p1 =	slt.u32 s9, $0xF7A;
	s5 =	simm.s32 @!p2 $0x0  }
0x1d: {  	s5 =	simm.s32 @p1 $0x1;
	p0 =	seq.s32 s7, s2  }
0x1e: {  	s7 =	smul.u32 @!p0 $0xF7A, s2;
	p2 =	seq.s32 @!p0 s5, $0x0  }
0x1f: {  	s9 =	smul.u32 $0xF7A, s1;
	s8 =	simm.s32 @!p0 $0x1BF5;
	p2 =	por !p2, p0  }
0x20: {  	[sflag:s8] =	ssyncset.s32 @!p0 $0xFFFFF086;
	s6 =	sadd.s32 @!p0 s3, s7;
	s7 =	simm.s32 @!p0 $0x108  }
0x21: {  	s3 =	sadd.s32 s3, s9;
	s6 =	sadd.s32 @!p0 $0x88, s6;
	s7 =	simm.s32 @p2 $0x1082  }
0x22: {  	[simem:s7], [sflag:s8] =	dma.local @!p0 [hbm:s6], $0xF7A  }
0x23: {  	s9 =	sor.u32 $0xD0000000, s2;
	s6 =	simm.s32 $0x108;
	_ =	swait.ge @!p0 [sflag:s8], $0x0  }
0x24: {  	s3 =	sadd.s32 $0x88, s3;
	s6 =	simm.s32 @!p1 $0x1082;
	[sflag:s4] =	ssyncset.s32 $0xFFFFF086  }
0x25: {  	[simem:s6], [sflag:s4] =	dma.local [hbm:s3], $0xF7A  }
0x26: {  	[smem:$0x3FA0] =	sst s1;
	(tag) =	ssettag s2;
	_ =	strace s9  }
0x27: {  	s1 =	sld [smem:$0x3FB0]  }
0x28: {  	s2 =	sld [smem:$0x3FB1]  }
0x29: {  	s4 =	sld [smem:$0x3FB3]  }
0x2a: {  	p0 =	seq.s32 s5, $0x0;
	s5 =	sld [smem:$0x3FB4]  }
0x2b: {  	s6 =	sld [smem:$0x3FB5]  }
0x2c: {  	s7 =	sld [smem:$0x3FB6]  }
0x2d: {  	s3 =	simm.s32 $0x108;
	s8 =	sld [smem:$0x3FB7]  }
0x2e: {  	s3 =	simm.s32 @!p0 $0x1082;
	s9 =	sld [smem:$0x3FB8]  }
0x2f: {  	lr =	sadd.s32 s0, s3;
	s0 =	sld [smem:$0x3FAF]  }
0x30: {  	s3 =	sld [smem:$0x3FB2]  }
0x31: {  	[smem:$0x3FBB] =	sst s10  }
0x32: {  	s10 =	sld [smem:$0x3FB9];
	_ =	sdelay $0x3  }
0x33: {  	p0 =	seq.s32 s10, $0x1;
	s10 =	sld [smem:$0x3FBB];
	_ =	sdelay $0x3  }
0x34: {  	[smem:$0x3FBB] =	sst s10  }
0x35: {  	s10 =	sld [smem:$0x3FBA];
	_ =	sdelay $0x3  }
0x36: {  	p1 =	seq.s32 s10, $0x1;
	s10 =	sld [smem:$0x3FBB];
	_ =	sdelay $0x3  }
0x37: {  	[smem:$0x3FBB] =	sst s10  }
0x38: {  	s10 =	sld [smem:$0x3FBC]  }
0x39: {  	_ = 	snop;
	(pc) =	sbr.ind lr, $3  }
0x3a: {  	_ = 	snop  }
0x3b: {  	_ = 	snop  }
0x3c: {  	p2 =	seq.s32 s10, $0x1;
	s10 =	sld [smem:$0x3FBB]  }
0x3d: {  	_ =	shalt  }
0x3e: {  	_ =	shalt  }
0x3f: {  	_ =	shalt  }
0x40: {  	_ =	shalt  }
0x41: {  	_ =	shalt  }
0x42: {  	_ =	shalt  }
0x43: {  	_ =	shalt  }
0x44: {  	_ =	shalt  }
0x45: {  	_ =	shalt  }
0x46: {  	_ =	shalt  }
0x47: {  	_ =	shalt  }
0x48: {  	_ =	shalt  }
0x49: {  	_ =	shalt  }
0x4a: {  	_ =	shalt  }
0x4b: {  	_ =	shalt  }
0x4c: {  	_ =	shalt  }
0x4d: {  	_ =	shalt  }
0x4e: {  	_ =	shalt  }
0x4f: {  	_ =	shalt  }
0x50: {  	_ =	shalt  }
0x51: {  	_ =	shalt  }
0x52: {  	_ =	shalt  }
0x53: {  	_ =	shalt  }
0x54: {  	_ =	shalt  }
0x55: {  	_ =	shalt  }
0x56: {  	_ =	shalt  }
0x57: {  	_ =	shalt  }
0x58: {  	_ =	shalt  }
0x59: {  	_ =	shalt  }
0x5a: {  	_ =	shalt  }
0x5b: {  	_ =	shalt  }
0x5c: {  	_ =	shalt  }
0x5d: {  	_ =	shalt  }
0x5e: {  	_ =	shalt  }
0x5f: {  	_ =	shalt  }
0x60: {  	_ =	shalt  }
0x61: {  	_ =	shalt  }
0x62: {  	_ =	shalt  }
0x63: {  	_ =	shalt  }
0x64: {  	_ =	shalt  }
0x65: {  	_ =	shalt  }
0x66: {  	_ =	shalt  }
0x67: {  	_ =	shalt  }
0x68: {  	_ =	shalt  }
0x69: {  	_ =	shalt  }
0x6a: {  	_ =	shalt  }
0x6b: {  	_ =	shalt  }
0x6c: {  	_ =	shalt  }
0x6d: {  	_ =	shalt  }
0x6e: {  	_ =	shalt  }
0x6f: {  	_ =	shalt  }
0x70: {  	_ =	shalt  }
0x71: {  	_ =	shalt  }
0x72: {  	_ =	shalt  }
0x73: {  	_ =	shalt  }
0x74: {  	_ =	shalt  }
0x75: {  	_ =	shalt  }
0x76: {  	_ =	shalt  }
0x77: {  	_ =	shalt  }
0x78: {  	_ =	shalt  }
0x79: {  	_ =	shalt  }
0x7a: {  	_ =	shalt  }
0x7b: {  	_ =	shalt  }
0x7c: {  	_ =	shalt  }
0x7d: {  	_ =	shalt  }
0x7e: {  	_ =	shalt  }
0x7f: {  	_ =	shalt  }
0x80: {  	_ =	shalt  }
0x81: {  	_ =	shalt  }
0x82: {  	_ =	shalt  }
0x83: {  	_ =	shalt  }
0x84: {  	_ =	shalt  }
0x85: {  	_ =	shalt  }
0x86: {  	_ =	shalt  }
0x87: {  	_ =	shalt  }
.Lfunc_end0:
.L_simem_size_0:
called_computation_lowered:
.L_overlay_start_0:
0x88: {  	s2 =	sld [smem:$0x3FD9]  }
0x89: {  	s3 =	sld [smem:$0x3FFE];
	_ =	sdelay $0x1  }
0x8a: {  	s1 =	srdreg.scid  }
0x8b: {  	s0 =	sand.u32 $0x1, s1  }
0x8c: {  	s17 =	sshll.u32 s0, $0xA;
	s2 =	sadd.s32 s3, s2  }
0x8d: {  	s2 =	sadd.s32 s2, s17  }
0x8e: {  	[smem:$0x3FC7] =	sst s2  }
0x8f: {  	_ = 	snop  }
0x90: {  	s2 =	sld [smem:$0x3FD0];
	(tm) =	ssettm $0x1  }
0x91: {  	s18 =	sld [smem:$0x3FFB];
	_ =	sdelay $0x3  }
0x92: {  	_ =	strace s18  }
0x93: {  	s3 =	sld [smem:$0x3FFC];
	_ =	sdelay $0x3  }
0x94: {  	_ =	strace s3  }
0x95: {  	s3 =	sld [smem:$0x3FFD];
	_ =	sdelay $0x3  }
0x96: {  	_ =	strace s3  }
0x97: {  	_ =	strace $0x8FFFFFFF  }
0x98: {  	s19 =	sld [smem:$0x3FDB];
	_ =	sdelay $0x1  }
0x99: {  	s4 =	simm.s32 $_scs_section_size  }
0x9a: {  	s5 =	simm.s32 $_size__tile_overlayer_lowered;
	s6 =	simm.s32 $_tile_overlayer_lowered  }
0x9b: {  	s22 =	simm.s32 $0x1BFF;
	s21 =	sshll.u32 s6, $0x1;
	s3 =	sadd.s32 s4, s19  }
0x9c: {  	s7 =	simm.s32 $0x0;
	s20 =	sshll.u32 s5, $0x1;
	s5 =	sadd.s32 s21, s3  }
0x9d: {  	[timem:s7], [sflag:s22] =	dma.local [hbm:s5], s20  }
0x9e: {  	_ =	swait.ge [sflag:s22], s20  }
0x9f: {  	s4 =	ssub.s32 $0x0, s20;
	[sflag:s22] =	ssyncset.done $0x0  }
0xa0: {  	[sflag:s22] =	ssyncadd.s32 s4;
	_ =	sdelay $0x1  }
0xa1: {  	s23 =	simm.s32 $0x1B8B  }
0xa2: {  	_ =	swait.ge [sflag:s23], $0x1  }
0xa3: {  	[sflag:s23] =	ssyncset.done $0x0  }
0xa4: {  	s25 =	simm.s32 $0x1B8E;
	s24 =	sld [smem:$0x3FFE];
	[sflag:s23] =	ssyncadd.s32 $0xFFFFFFFF  }
0xa5: {  	s26 =	simm.s32 $execute0_lowered;
	[smem:$0x3FD2] =	sst s25  }
0xa6: {  	s5 =	sshll.u32 s26, $0x1;
	_ =	strace $0x80000046;
	[dreg:$0x1] =	wrdreg $0xFFFFFFFF  }
0xa7: {  	s28 =	simm.s32 $_size_execute0_lowered;
	s3 =	sadd.s32 s3, s5;
	[dreg:$0x0] =	wrdreg $0x0  }
0xa8: {  	s5 =	sshll.u32 s28, $0x1;
	[dreg:$0x2] =	wrdreg s3  }
0xa9: {  	[dreg:$0x3] =	wrdreg s5  }
0xaa: {  	[dreg:$0x4] =	wrdreg $0xC0  }
0xab: {  	_ =	task [dreg:s7], $0x5FFFF  }
0xac: {  	[dreg:$0x1] =	wrdreg $0xFFFFFFFF  }
0xad: {  	[dreg:$0x0] =	wrdreg $0x60  }
0xae: {  	[dreg:$0x2] =	wrdreg s24  }
0xaf: {  	[dreg:$0x3] =	wrdreg s2  }
0xb0: {  	[dreg:$0x4] =	wrdreg $0x9  }
0xb1: {  	_ =	task.clear_ibuf [dreg:s7], $0x5FFFF;
	_ =	strace $0x90000046  }
0xb2: {  	s29 =	simm.s32 $0x9;
	_ =	strace $0x80000048  }
0xb3: {  	_ =	swait.ge [sflag:s29], $0x1  }
0xb4: {  	[sflag:s29] =	ssyncadd.s32 $0xFFFFFFFF  }
0xb5: {  	_ =	strace $0x90000048  }
0xb6: {  	_ =	sfence  }
0xb7: {  	s30 =	sld [smem:$0x0];
	_ =	sdelay $0x2  }
0xb8: {  	s31 =	sshll.u32 s1, $0xD;
	s1 =	sshrl.u32 s1, $0x2  }
0xb9: {  	s3 =	sand.u32 $0x4000, s31;
	s1 =	sadd.s32 s1, s30  }
0xba: {  	s0 =	sor.u32 s3, s0;
	s1 =	sshll.u32 s1, $0x11  }
0xbb: {  	s0 =	sor.u32 s1, s0  }
0xbc: {  	s0 =	sadd.s32 $0x8F2B, s0  }
0xbd: {  	[sflag:s0] =	ssyncadd.remote.s32 $0x1  }
0xbe: {  	_ =	sfence.sel $0xFFFF  }
0xbf: {  	[dreg:$0x0] =	wrdreg $0xFFFFFFFF;
	(pc) =	sbr.abs _section_cstart, $3  }
0xc0: {  	[dreg:$0x1] =	wrdreg $0xFFFFFFFF  }
0xc1: {  	_ =	task.clear_ibuf [dreg:s7], $0x2FFFF;
	_ =	strace $0x9FFFFFFF  }
0xc2: {  	(tm) =	ssettm $0x7FFFFFFF  }
0xc3: {  	_ =	shalt  }
tec
execute0_lowered:
.L_overlay_start_1:
0x0: {  	(tag) =	ssettag $0x1  }
0x1: {  	s3 =	rddreg [dreg:$0x0]  }
0x2: {  	s5 =	rddreg [dreg:$0x1];
	s1 =	srdreg.scid  }
0x3: {  	s0 =	rddreg [dreg:$0x2];
	s2 =	simm.s32 $0x0;
	s10 =	simm.s32 $0x980  }
0x4: {  	s11 =	simm.s32 $0x3;
	s12 =	simm.s32 $0x0;
	s4 =	sand.u32 $0x1, s1  }
0x5: {  	[smem:$0x7FF] =	sst s2;
	s1 =	stileid.u32;
	s6 =	sshll.u32 s4, $0x4  }
0x6: {  	_ =	strace $0x80000047;
	s7 =	sand.u32 $0x1, s1;
	s4 =	ssub.s32 $0x2, s4  }
0x7: {  	s6 =	sor.u32 s1, s6;
	p0 =	seq.s32 s7, $0x1;
	s7 =	simm.s32 $0x900  }
0x8: {  	s30 =	sshrl.u32 s4, $0x1;
	s6 =	sshrl.u32 s6, $0x1;
	s7 =	simm.s32 @!p0 $0x0  }
0x9: {  	s8 =	sshll.u32 s6, $0x4;
	s6 =	smul.u32 $0x1200, s6;
	s9 =	sshrl.u32 s7, $0x3  }
0xa: {  	s31 =	ssub.s32 s4, s30;
	s8 =	sadd.s32 s8, s3;
	s9 =	sadd.s32 s9, s3  }
0xb: {  	s6 =	sadd.s32 s7, s6;
	s3 =	sadd.s32 $0x200, s8;
	s4 =	sadd.s32 $0x400, s9  }
0xc: {  	s7 =	simm.s32 $0x80;
	s8 =	simm.s32 $0x1;
	s6 =	sshrl.u32 s6, $0x3  }
0xd: {  	s9 =	simm.s32 $0x2;
	s5 =	sadd.s32 s5, s6;
	s6 =	smax.u32 s31, $0x1  }
.LBB2_1:
0xe: {  	[tilespmem:s2], [sflag:$0x1] =	stream.linear.gather [hbm4b:s3+s2], $0x80, $0x38;
	[tilespmem:$0x1280] =	vst v63  }
0xf: {  	_ = 	snop  }
0x10: {  	[tilespmem:s7], [sflag:$0x2] =	stream.linear.gather [hbm4b:s4+s2], $0x900, $0x38;
	[tilespmem:$0x1280] =	vst v63  }
0x11: {  	_ =	swait.ge [sflag:s8], $0x80  }
0x12: {  	[sflag:s8] =	ssyncset.done $0x0  }
0x13: {  	[sflag:s8] =	ssyncadd.s32 $0xFFFFFF80  }
0x14: {  	_ =	swait.ge [sflag:s9], $0x900  }
0x15: {  	[sflag:s9] =	ssyncset.done $0x0  }
0x16: {  	s13 =	simm.s32 $0x0;
	[sflag:s9] =	ssyncadd.s32 $0xFFFFF700  }
0x17: {  	v2 =	vld [tilespmem:s13+$0x80];
	_ =	sdelay $0x1  }
0x18: {  	v0 =	vld [tilespmem:$0x0]  }
0x19: {  	v1 =	vld [tilespmem:$0x10];
	_ =	sdelay $0x1  }
0x1a: {  	s14 =	simm.s32 $0x10;
	v3 =	vadd.s32 $0xFFFFFFF0, v2;
	vm0 =	vlt.s32 v2, $0xF  }
0x1b: {  	vm15 =	vlt.s32 v2, $0x10;
	vm1 =	vgt.s32 v3, $0x0;
	v4 =	vnsel vm0, $0xF, v2;
	v2 =	vld [tilespmem:s14+$0x80]  }
0x1c: {  	v3 =	vnsel vm1, $0x0, v3  }
0x1d: {  	v4 =	vperm.xlane v0, v4;
	v3 =	vperm.xlane v1, v3;
	_ =	sdelay $0x1  }
0x1e: {  	s15 =	simm.s32 $0x80;
	v3 =	vsel vm15, v4, v3  }
.LBB2_2:
0x1f: {  	s16 =	sshra.s32 s15, $0x2;
	p0 =	sne.s32 s15, $0x23C0;
	s15 =	sadd.s32 $0x40, s15;
	v4 =	vadd.s32 $0xFFFFFFF0, v2;
	[tilespmem:s13+$0x980] =	vst v3;
	v3 =	vmov v2  }
.Ltmp0:
0x20: {  	s13 =	smov.u32 s14;
	v2 =	vld [tilespmem:s16+$0x80];
	vm0 =	vlt.s32 v3, $0xF;
	vm1 =	vgt.s32 v4, $0x0;
	s14 =	smov.u32 s16;
	(pc) =	sbr.rel @p0 .LBB2_2-.Ltmp0, $4  }
0x21: {  	v5 =	vnsel vm0, $0xF, v3;
	v4 =	vnsel vm1, $0x0, v4  }
0x22: {  	v5 =	vperm.xlane v0, v5;
	v4 =	vperm.xlane v1, v4  }
0x23: {  	vm0 =	vlt.s32 v3, $0x10  }
0x24: {  	v3 =	vsel vm0, v5, v4  }
0x25: {  	v4 =	vadd.s32 $0xFFFFFFF0, v2  }
0x26: {  	vm0 =	vlt.s32 v2, $0xF;
	vm1 =	vgt.s32 v4, $0x0  }
0x27: {  	v5 =	vnsel vm0, $0xF, v2;
	v4 =	vnsel vm1, $0x0, v4  }
0x28: {  	v0 =	vperm.xlane v0, v5;
	v1 =	vperm.xlane v1, v4  }
0x29: {  	vm15 =	vlt.s32 v2, $0x10;
	s12 =	sadd.s32 $0x1, s12  }
0x2a: {  	[tilespmem:s13+$0x980] =	vst v3;
	p0 =	sne.s32 s12, s6;
	v0 =	vsel vm15, v0, v1  }
.Ltmp1:
0x2b: {  	[tilespmem:s14+$0x980] =	vst v0;
	(pc) =	sbr.rel @p0 .LBB2_1-.Ltmp1, $4  }
0x2c: {  	[hbm4b:s5+s2] =	stream.linear.scatter [tilespmem:s10], [sflag:$0x3], $0x900, $0x38;
	[tilespmem:$0x1280] =	vst v63  }
0x2d: {  	_ =	swait.ge [sflag:s11], $0x900  }
0x2e: {  	[sflag:s11] =	ssyncset.done $0x0  }
0x2f: {  	[sflag:s11] =	ssyncadd.s32 $0xFFFFF700  }
0x30: {  	_ =	sfence.sel $0x180000  }
0x31: {  	[bflag:$0x0] =	sbarrier.arrive $0xFFFF  }
0x32: {  	p0 =	sne.s32 s1, $0x0;
	_ =	strace $0x90000047  }
0x33: {  	s0 =	sadd.s32 @!p0 $0x100000, s0;
	[bflag:$0x2] =	sbarrier.arrive $0xFFFF  }
0x34: {  	[sflag:s0] =	ssyncadd.tile.s32 @!p0 $0x1;
	_ =	shalt  }
.Lfunc_end2:
_tile_overlayer_lowered:
.L_overlay_start_2:
0x35: {  	(tag) =	ssettag $0x2  }
0x36: {  	s0 =	rddreg [dreg:$0x0];
	s2 =	stileid.u32  }
0x37: {  	s1 =	rddreg [dreg:$0x1];
	p0 =	sne.s32 s2, $0x0  }
0x38: {  	s3 =	rddreg [dreg:$0x2];
	[bflag:$0x3] =	sbarrier.arrive $0xFFFF;
	s2 =	simm.s32 @!p0 $0x1C04  }
0x39: {  	[timem:s3], [sflag:s2] =	dma.local @!p0 [hbm:s0], s1  }
0x3a: {  	s0 =	simm.s32 @!p0 $0x4  }
0x3b: {  	_ =	swait.ge @!p0 [sflag:s0], s1  }
0x3c: {  	s1 =	ssub.s32 @!p0 $0x0, s1;
	[sflag:s0] =	ssyncset.done @!p0 $0x0  }
0x3d: {  	[sflag:s0] =	ssyncadd.s32 @!p0 s1  }
0x3e: {  	[bflag:$0x3] =	sbarrier.arrive $0xFFFF  }
0x3f: {  	_ =	shalt  }

</sc_bundles>
